<compile_context>
chip_gen: v7x
topology: tpu7x:2x2x1
jax: 0.10.2.dev20260603
libtpu: 0.0.44.dev20260713+nightly
codegen_flags: <defaults>
</compile_context>

<pallas_src>
import functools

import jax
import jax.numpy as jnp
from jax import lax
from jax.experimental import pallas as pl
from jax.experimental.pallas import tpu as pltpu
from jax.experimental.pallas import tpu_sc as plsc

_BINS = 32
_CZ = 128
_L = 1024
_VOCAB = 2 * _BINS + 2
_WROWS = 2 * _L
_NC, _NS, _NL = 2, 16, 16
_PIECE = _WROWS // _NS
_SLAB = _L * _CZ
_I_PER_W = _L // (_NC * _NS)


def _relpos_kernel(table_hbm, out_hbm, tab_v, piece_v, w_sh):
    c = lax.axis_index("c")
    s = lax.axis_index("s")
    lane = lax.iota(jnp.int32, 16)

    pltpu.sync_copy(table_hbm, tab_v)

    def build_row(kl, carry):
        k = s * _PIECE + kl
        idx = jnp.clip(k - (_L - 1), -_BINS, _BINS) + (_BINS + 1)
        for ch in range(_CZ // _NL):
            vals = tab_v[pl.ds(idx * _CZ + ch * _NL, _NL)]
            piece_v[pl.ds(kl * _CZ + ch * _NL, _NL)] = vals
        return carry

    lax.fori_loop(0, _PIECE, build_row, 0)
    pltpu.sync_copy(piece_v, w_sh.at[pl.ds(s * (_PIECE * _CZ), _PIECE * _CZ)])
    plsc.subcore_barrier()

    wid = c * _NS + s
    for t in range(_I_PER_W):
        i = wid * _I_PER_W + t
        src = (_L - 1 - i) * _CZ
        pltpu.sync_copy(w_sh.at[pl.ds(src, _SLAB)],
                        out_hbm.at[pl.ds(i * _SLAB, _SLAB)])


@jax.jit
def _relpos(table):
    mesh = plsc.VectorSubcoreMesh(core_axis_name="c", subcore_axis_name="s")
    run = functools.partial(
        pl.kernel,
        mesh=mesh,
        out_type=jax.ShapeDtypeStruct((_L * _L * _CZ,), jnp.float32),
        scratch_types=[
            pltpu.VMEM((_VOCAB * _CZ,), jnp.float32),
            pltpu.VMEM((_PIECE * _CZ,), jnp.float32),
            pltpu.VMEM_SHARED((_WROWS * _CZ,), jnp.float32),
        ],
    )(_relpos_kernel)
    return run(table.reshape(_VOCAB * _CZ))


def kernel(residue_index, table):
    del residue_index
    out = _relpos(table)
    return out.reshape(1, _L, _L, _CZ)

# --- scband reference (transcript-rebuilt; emitter-appended) ---
"""Pipeline reference for scband-relative-position-25469156065572 (READ-ONLY COPY).

The authoritative reference and input builder live on the scoring server;
editing this copy changes nothing except your own understanding.
"""

import jax, jax.numpy as jnp
import numpy as np

BINS = 32
C_Z = 128
B = 1
L = 1024
VOCAB = 2 * BINS + 2


def setup_inputs(seed: int = 0) -> dict:
    key = jax.random.key(seed)
    residue_index = jnp.arange(B * L).reshape(B, L)
    table = jax.random.normal(jax.random.fold_in(key, 1), (VOCAB, C_Z), dtype=jnp.float32)
    return {"residue_index": residue_index, "table": table}


def reference(residue_index, table):
    # diff: B x L x L signed relative offsets
    diff = residue_index[:, None, :] - residue_index[:, :, None]
    diff = jnp.clip(diff, -BINS, BINS)
    diff = diff + BINS + 1
    # embedding lookup -> B x L x L x c_z
    output = jnp.take(table, diff, axis=0)
    return output

if __name__ == "__main__":
    import jax
    _d = setup_inputs()
    print(jax.jit(kernel)(*tuple(_d.values())))

</pallas_src>

<mosaic_0001>
#map = affine_map<(d0, d1) -> (0)>
module attributes {stable_mosaic.version = 14 : i64} {
  func.func @_relpos_kernel(%arg0: i32, %arg1: i32, %arg2: memref<8448xf32, #tpu.memory_space<hbm>>, %arg3: memref<134217728xf32, #tpu.memory_space<hbm>>, %arg4: memref<8448xf32, #tpu.memory_space<vmem>>, %arg5: memref<16384xf32, #tpu.memory_space<vmem>>, %arg6: memref<262144xf32, #tpu.memory_space<vmem_shared>>) attributes {dimension_semantics = [#tpu.dimension_semantics<core_parallel>, #tpu.dimension_semantics<subcore_parallel>], iteration_bounds = array<i64: 2, 16>, scalar_prefetch = 0 : i64, scratch_operands = 3 : i64, tpu.core_type = #tpu.core_type<sc_vector_subcore>, window_params = [{transform_indices = #map}, {transform_indices = #map}]} {
    %iota3A = tpu.iota {dimensions = array<i32: 0>} : vector<16xi32>
    "tpu.region"() ({
      %run_scoped3A = tpu.sem_alloc : memref<!tpu.dma_semaphore, #tpu.memory_space<semaphore_mem>>
      tpu.enqueue_dma source(%arg2 : memref<8448xf32, #tpu.memory_space<hbm>>) target(%arg4 : memref<8448xf32, #tpu.memory_space<vmem>>) target_semaphore(%run_scoped3A : memref<!tpu.dma_semaphore, #tpu.memory_space<semaphore_mem>>)
      tpu.wait_dma2 semaphore(%run_scoped3A : memref<!tpu.dma_semaphore, #tpu.memory_space<semaphore_mem>>) src(%arg2 : memref<8448xf32, #tpu.memory_space<hbm>>) dst(%arg4 : memref<8448xf32, #tpu.memory_space<vmem>>)
      tpu.yield
    }) : () -> ()
    %scan3A = arith.constant 0 : i32
    %scan3A_0 = arith.constant 0 : i32
    %scan3A_1 = arith.constant 128 : i32
    %scan3A_2 = arith.addi %scan3A_0, %scan3A_1 : i32
    %scan3A_3 = arith.constant 1 : i32
    scf.for %scan3A_327 = %scan3A_0 to %scan3A_2 step %scan3A_3  : i32 {
      %mul3A_328 = arith.constant 128 : i32
      %mul3A_329 = arith.muli %arg1, %mul3A_328 : i32
      %add3A_330 = arith.addi %mul3A_329, %scan3A_327 : i32
      %sub3A_331 = arith.constant 1023 : i32
      %sub3A_332 = arith.subi %add3A_330, %sub3A_331 : i32
      %jit3A = arith.constant -32 : i32
      %jit3A_333 = arith.constant 32 : i32
      %max3A = arith.maxsi %jit3A, %sub3A_332 : i32
      %min3A = arith.minsi %jit3A_333, %max3A : i32
      %add3A_334 = arith.constant 33 : i32
      %add3A_335 = arith.addi %min3A, %add3A_334 : i32
      %mul3A_336 = arith.constant 128 : i32
      %mul3A_337 = arith.muli %add3A_335, %mul3A_336 : i32
      %add3A_338 = arith.constant 0 : i32
      %add3A_339 = arith.addi %mul3A_337, %add3A_338 : i32
      %get3A = arith.index_cast %add3A_339 : i32 to index
      %get3A_340 = tpu.vector_load %arg4[%get3A] {strides = array<i32>} : memref<8448xf32, #tpu.memory_space<vmem>>, vector<16xf32>,
      %get3A_341 = vector.shape_cast %get3A_340 : vector<16xf32> to vector<16xf32>
      %mul3A_342 = arith.constant 128 : i32
      %mul3A_343 = arith.muli %scan3A_327, %mul3A_342 : i32
      %add3A_344 = arith.constant 0 : i32
      %add3A_345 = arith.addi %mul3A_343, %add3A_344 : i32
      %swap3A = arith.index_cast %add3A_345 : i32 to index
      %swap3A_346 = tpu.vector_load %arg5[%swap3A] {strides = array<i32>} : memref<16384xf32, #tpu.memory_space<vmem>>, vector<16xf32>,
      %swap3A_347 = vector.shape_cast %swap3A_346 : vector<16xf32> to vector<16xf32>
      %swap3A_348 = vector.shape_cast %get3A_341 : vector<16xf32> to vector<16xf32>
      tpu.vector_store %arg5[%swap3A], %swap3A_348 {strides = array<i32>} : memref<16384xf32, #tpu.memory_space<vmem>>, vector<16xf32>,
      %mul3A_349 = arith.constant 128 : i32
      %mul3A_350 = arith.muli %add3A_335, %mul3A_349 : i32
      %add3A_351 = arith.constant 16 : i32
      %add3A_352 = arith.addi %mul3A_350, %add3A_351 : i32
      %get3A_353 = arith.index_cast %add3A_352 : i32 to index
      %get3A_354 = tpu.vector_load %arg4[%get3A_353] {strides = array<i32>} : memref<8448xf32, #tpu.memory_space<vmem>>, vector<16xf32>,
      %get3A_355 = vector.shape_cast %get3A_354 : vector<16xf32> to vector<16xf32>
      %mul3A_356 = arith.constant 128 : i32
      %mul3A_357 = arith.muli %scan3A_327, %mul3A_356 : i32
      %add3A_358 = arith.constant 16 : i32
      %add3A_359 = arith.addi %mul3A_357, %add3A_358 : i32
      %swap3A_360 = arith.index_cast %add3A_359 : i32 to index
      %swap3A_361 = tpu.vector_load %arg5[%swap3A_360] {strides = array<i32>} : memref<16384xf32, #tpu.memory_space<vmem>>, vector<16xf32>,
      %swap3A_362 = vector.shape_cast %swap3A_361 : vector<16xf32> to vector<16xf32>
      %swap3A_363 = vector.shape_cast %get3A_355 : vector<16xf32> to vector<16xf32>
      tpu.vector_store %arg5[%swap3A_360], %swap3A_363 {strides = array<i32>} : memref<16384xf32, #tpu.memory_space<vmem>>, vector<16xf32>,
      %mul3A_364 = arith.constant 128 : i32
      %mul3A_365 = arith.muli %add3A_335, %mul3A_364 : i32
      %add3A_366 = arith.constant 32 : i32
      %add3A_367 = arith.addi %mul3A_365, %add3A_366 : i32
      %get3A_368 = arith.index_cast %add3A_367 : i32 to index
      %get3A_369 = tpu.vector_load %arg4[%get3A_368] {strides = array<i32>} : memref<8448xf32, #tpu.memory_space<vmem>>, vector<16xf32>,
      %get3A_370 = vector.shape_cast %get3A_369 : vector<16xf32> to vector<16xf32>
      %mul3A_371 = arith.constant 128 : i32
      %mul3A_372 = arith.muli %scan3A_327, %mul3A_371 : i32
      %add3A_373 = arith.constant 32 : i32
      %add3A_374 = arith.addi %mul3A_372, %add3A_373 : i32
      %swap3A_375 = arith.index_cast %add3A_374 : i32 to index
      %swap3A_376 = tpu.vector_load %arg5[%swap3A_375] {strides = array<i32>} : memref<16384xf32, #tpu.memory_space<vmem>>, vector<16xf32>,
      %swap3A_377 = vector.shape_cast %swap3A_376 : vector<16xf32> to vector<16xf32>
      %swap3A_378 = vector.shape_cast %get3A_370 : vector<16xf32> to vector<16xf32>
      tpu.vector_store %arg5[%swap3A_375], %swap3A_378 {strides = array<i32>} : memref<16384xf32, #tpu.memory_space<vmem>>, vector<16xf32>,
      %mul3A_379 = arith.constant 128 : i32
      %mul3A_380 = arith.muli %add3A_335, %mul3A_379 : i32
      %add3A_381 = arith.constant 48 : i32
      %add3A_382 = arith.addi %mul3A_380, %add3A_381 : i32
      %get3A_383 = arith.index_cast %add3A_382 : i32 to index
      %get3A_384 = tpu.vector_load %arg4[%get3A_383] {strides = array<i32>} : memref<8448xf32, #tpu.memory_space<vmem>>, vector<16xf32>,
      %get3A_385 = vector.shape_cast %get3A_384 : vector<16xf32> to vector<16xf32>
      %mul3A_386 = arith.constant 128 : i32
      %mul3A_387 = arith.muli %scan3A_327, %mul3A_386 : i32
      %add3A_388 = arith.constant 48 : i32
      %add3A_389 = arith.addi %mul3A_387, %add3A_388 : i32
      %swap3A_390 = arith.index_cast %add3A_389 : i32 to index
      %swap3A_391 = tpu.vector_load %arg5[%swap3A_390] {strides = array<i32>} : memref<16384xf32, #tpu.memory_space<vmem>>, vector<16xf32>,
      %swap3A_392 = vector.shape_cast %swap3A_391 : vector<16xf32> to vector<16xf32>
      %swap3A_393 = vector.shape_cast %get3A_385 : vector<16xf32> to vector<16xf32>
      tpu.vector_store %arg5[%swap3A_390], %swap3A_393 {strides = array<i32>} : memref<16384xf32, #tpu.memory_space<vmem>>, vector<16xf32>,
      %mul3A_394 = arith.constant 128 : i32
      %mul3A_395 = arith.muli %add3A_335, %mul3A_394 : i32
      %add3A_396 = arith.constant 64 : i32
      %add3A_397 = arith.addi %mul3A_395, %add3A_396 : i32
      %get3A_398 = arith.index_cast %add3A_397 : i32 to index
      %get3A_399 = tpu.vector_load %arg4[%get3A_398] {strides = array<i32>} : memref<8448xf32, #tpu.memory_space<vmem>>, vector<16xf32>,
      %get3A_400 = vector.shape_cast %get3A_399 : vector<16xf32> to vector<16xf32>
      %mul3A_401 = arith.constant 128 : i32
      %mul3A_402 = arith.muli %scan3A_327, %mul3A_401 : i32
      %add3A_403 = arith.constant 64 : i32
      %add3A_404 = arith.addi %mul3A_402, %add3A_403 : i32
      %swap3A_405 = arith.index_cast %add3A_404 : i32 to index
      %swap3A_406 = tpu.vector_load %arg5[%swap3A_405] {strides = array<i32>} : memref<16384xf32, #tpu.memory_space<vmem>>, vector<16xf32>,
      %swap3A_407 = vector.shape_cast %swap3A_406 : vector<16xf32> to vector<16xf32>
      %swap3A_408 = vector.shape_cast %get3A_400 : vector<16xf32> to vector<16xf32>
      tpu.vector_store %arg5[%swap3A_405], %swap3A_408 {strides = array<i32>} : memref<16384xf32, #tpu.memory_space<vmem>>, vector<16xf32>,
      %mul3A_409 = arith.constant 128 : i32
      %mul3A_410 = arith.muli %add3A_335, %mul3A_409 : i32
      %add3A_411 = arith.constant 80 : i32
      %add3A_412 = arith.addi %mul3A_410, %add3A_411 : i32
      %get3A_413 = arith.index_cast %add3A_412 : i32 to index
      %get3A_414 = tpu.vector_load %arg4[%get3A_413] {strides = array<i32>} : memref<8448xf32, #tpu.memory_space<vmem>>, vector<16xf32>,
      %get3A_415 = vector.shape_cast %get3A_414 : vector<16xf32> to vector<16xf32>
      %mul3A_416 = arith.constant 128 : i32
      %mul3A_417 = arith.muli %scan3A_327, %mul3A_416 : i32
      %add3A_418 = arith.constant 80 : i32
      %add3A_419 = arith.addi %mul3A_417, %add3A_418 : i32
      %swap3A_420 = arith.index_cast %add3A_419 : i32 to index
      %swap3A_421 = tpu.vector_load %arg5[%swap3A_420] {strides = array<i32>} : memref<16384xf32, #tpu.memory_space<vmem>>, vector<16xf32>,
      %swap3A_422 = vector.shape_cast %swap3A_421 : vector<16xf32> to vector<16xf32>
      %swap3A_423 = vector.shape_cast %get3A_415 : vector<16xf32> to vector<16xf32>
      tpu.vector_store %arg5[%swap3A_420], %swap3A_423 {strides = array<i32>} : memref<16384xf32, #tpu.memory_space<vmem>>, vector<16xf32>,
      %mul3A_424 = arith.constant 128 : i32
      %mul3A_425 = arith.muli %add3A_335, %mul3A_424 : i32
      %add3A_426 = arith.constant 96 : i32
      %add3A_427 = arith.addi %mul3A_425, %add3A_426 : i32
      %get3A_428 = arith.index_cast %add3A_427 : i32 to index
      %get3A_429 = tpu.vector_load %arg4[%get3A_428] {strides = array<i32>} : memref<8448xf32, #tpu.memory_space<vmem>>, vector<16xf32>,
      %get3A_430 = vector.shape_cast %get3A_429 : vector<16xf32> to vector<16xf32>
      %mul3A_431 = arith.constant 128 : i32
      %mul3A_432 = arith.muli %scan3A_327, %mul3A_431 : i32
      %add3A_433 = arith.constant 96 : i32
      %add3A_434 = arith.addi %mul3A_432, %add3A_433 : i32
      %swap3A_435 = arith.index_cast %add3A_434 : i32 to index
      %swap3A_436 = tpu.vector_load %arg5[%swap3A_435] {strides = array<i32>} : memref<16384xf32, #tpu.memory_space<vmem>>, vector<16xf32>,
      %swap3A_437 = vector.shape_cast %swap3A_436 : vector<16xf32> to vector<16xf32>
      %swap3A_438 = vector.shape_cast %get3A_430 : vector<16xf32> to vector<16xf32>
      tpu.vector_store %arg5[%swap3A_435], %swap3A_438 {strides = array<i32>} : memref<16384xf32, #tpu.memory_space<vmem>>, vector<16xf32>,
      %mul3A_439 = arith.constant 128 : i32
      %mul3A_440 = arith.muli %add3A_335, %mul3A_439 : i32
      %add3A_441 = arith.constant 112 : i32
      %add3A_442 = arith.addi %mul3A_440, %add3A_441 : i32
      %get3A_443 = arith.index_cast %add3A_442 : i32 to index
      %get3A_444 = tpu.vector_load %arg4[%get3A_443] {strides = array<i32>} : memref<8448xf32, #tpu.memory_space<vmem>>, vector<16xf32>,
      %get3A_445 = vector.shape_cast %get3A_444 : vector<16xf32> to vector<16xf32>
      %mul3A_446 = arith.constant 128 : i32
      %mul3A_447 = arith.muli %scan3A_327, %mul3A_446 : i32
      %add3A_448 = arith.constant 112 : i32
      %add3A_449 = arith.addi %mul3A_447, %add3A_448 : i32
      %swap3A_450 = arith.index_cast %add3A_449 : i32 to index
      %swap3A_451 = tpu.vector_load %arg5[%swap3A_450] {strides = array<i32>} : memref<16384xf32, #tpu.memory_space<vmem>>, vector<16xf32>,
      %swap3A_452 = vector.shape_cast %swap3A_451 : vector<16xf32> to vector<16xf32>
      %swap3A_453 = vector.shape_cast %get3A_445 : vector<16xf32> to vector<16xf32>
      tpu.vector_store %arg5[%swap3A_450], %swap3A_453 {strides = array<i32>} : memref<16384xf32, #tpu.memory_space<vmem>>, vector<16xf32>,
    }
    %scan3A_4 = arith.constant 128 : i32
    %mul3A = arith.constant 16384 : i32
    %mul3A_5 = arith.muli %arg1, %mul3A : i32
    "tpu.region"() ({
      %run_scoped3A = tpu.sem_alloc : memref<!tpu.dma_semaphore, #tpu.memory_space<semaphore_mem>>
      %dma_start3A = tpu.memref_slice %arg6[%mul3A_5] : memref<262144xf32, #tpu.memory_space<vmem_shared>> -> memref<16384xf32, #tpu.memory_space<vmem_shared>>
      %dma_start3A_327 = tpu.memref_slice %arg6[%mul3A_5] : memref<262144xf32, #tpu.memory_space<vmem_shared>> -> memref<16384xf32, #tpu.memory_space<vmem_shared>>
      tpu.enqueue_dma source(%arg5 : memref<16384xf32, #tpu.memory_space<vmem>>) target(%dma_start3A_327 : memref<16384xf32, #tpu.memory_space<vmem_shared>>) target_semaphore(%run_scoped3A : memref<!tpu.dma_semaphore, #tpu.memory_space<semaphore_mem>>)
      %dma_wait3A = tpu.memref_slice %arg6[%mul3A_5] : memref<262144xf32, #tpu.memory_space<vmem_shared>> -> memref<16384xf32, #tpu.memory_space<vmem_shared>>
      %dma_wait3A_328 = tpu.memref_slice %arg6[%mul3A_5] : memref<262144xf32, #tpu.memory_space<vmem_shared>> -> memref<16384xf32, #tpu.memory_space<vmem_shared>>
      tpu.wait_dma2 semaphore(%run_scoped3A : memref<!tpu.dma_semaphore, #tpu.memory_space<semaphore_mem>>) src(%arg5 : memref<16384xf32, #tpu.memory_space<vmem>>) dst(%dma_wait3A_328 : memref<16384xf32, #tpu.memory_space<vmem_shared>>)
      tpu.yield
    }) : () -> ()
    %barrier3A = arith.constant 0 : index
    tpu.barrier barrier_id(%barrier3A)
    %mul3A_6 = arith.constant 16 : i32
    %mul3A_7 = arith.muli %arg0, %mul3A_6 : i32
    %add3A = arith.addi %mul3A_7, %arg1 : i32
    %mul3A_8 = arith.constant 32 : i32
    %mul3A_9 = arith.muli %add3A, %mul3A_8 : i32
    %add3A_10 = arith.constant 0 : i32
    %add3A_11 = arith.addi %mul3A_9, %add3A_10 : i32
    %sub3A = arith.constant 1023 : i32
    %sub3A_12 = arith.subi %sub3A, %add3A_11 : i32
    %mul3A_13 = arith.constant 128 : i32
    %mul3A_14 = arith.muli %sub3A_12, %mul3A_13 : i32
    %mul3A_15 = arith.constant 131072 : i32
    %mul3A_16 = arith.muli %add3A_11, %mul3A_15 : i32
    "tpu.region"() ({
      %run_scoped3A = tpu.sem_alloc : memref<!tpu.dma_semaphore, #tpu.memory_space<semaphore_mem>>
      %dma_start3A = tpu.memref_slice %arg3[%mul3A_16] : memref<134217728xf32, #tpu.memory_space<hbm>> -> memref<131072xf32, #tpu.memory_space<hbm>>
      %dma_start3A_327 = tpu.memref_slice %arg6[%mul3A_14] : memref<262144xf32, #tpu.memory_space<vmem_shared>> -> memref<131072xf32, #tpu.memory_space<vmem_shared>>
      tpu.enqueue_dma source(%dma_start3A_327 : memref<131072xf32, #tpu.memory_space<vmem_shared>>) target(%dma_start3A : memref<131072xf32, #tpu.memory_space<hbm>>) target_semaphore(%run_scoped3A : memref<!tpu.dma_semaphore, #tpu.memory_space<semaphore_mem>>)
      %dma_wait3A = tpu.memref_slice %arg3[%mul3A_16] : memref<134217728xf32, #tpu.memory_space<hbm>> -> memref<131072xf32, #tpu.memory_space<hbm>>
      %dma_wait3A_328 = tpu.memref_slice %arg6[%mul3A_14] : memref<262144xf32, #tpu.memory_space<vmem_shared>> -> memref<131072xf32, #tpu.memory_space<vmem_shared>>
      tpu.wait_dma2 semaphore(%run_scoped3A : memref<!tpu.dma_semaphore, #tpu.memory_space<semaphore_mem>>) src(%dma_wait3A_328 : memref<131072xf32, #tpu.memory_space<vmem_shared>>) dst(%dma_wait3A : memref<131072xf32, #tpu.memory_space<hbm>>)
      tpu.yield
    }) : () -> ()
    %mul3A_17 = arith.constant 32 : i32
    %mul3A_18 = arith.muli %add3A, %mul3A_17 : i32
    %add3A_19 = arith.constant 1 : i32
    %add3A_20 = arith.addi %mul3A_18, %add3A_19 : i32
    %sub3A_21 = arith.constant 1023 : i32
    %sub3A_22 = arith.subi %sub3A_21, %add3A_20 : i32
    %mul3A_23 = arith.constant 128 : i32
    %mul3A_24 = arith.muli %sub3A_22, %mul3A_23 : i32
    %mul3A_25 = arith.constant 131072 : i32
    %mul3A_26 = arith.muli %add3A_20, %mul3A_25 : i32
    "tpu.region"() ({
      %run_scoped3A = tpu.sem_alloc : memref<!tpu.dma_semaphore, #tpu.memory_space<semaphore_mem>>
      %dma_start3A = tpu.memref_slice %arg3[%mul3A_26] : memref<134217728xf32, #tpu.memory_space<hbm>> -> memref<131072xf32, #tpu.memory_space<hbm>>
      %dma_start3A_327 = tpu.memref_slice %arg6[%mul3A_24] : memref<262144xf32, #tpu.memory_space<vmem_shared>> -> memref<131072xf32, #tpu.memory_space<vmem_shared>>
      tpu.enqueue_dma source(%dma_start3A_327 : memref<131072xf32, #tpu.memory_space<vmem_shared>>) target(%dma_start3A : memref<131072xf32, #tpu.memory_space<hbm>>) target_semaphore(%run_scoped3A : memref<!tpu.dma_semaphore, #tpu.memory_space<semaphore_mem>>)
      %dma_wait3A = tpu.memref_slice %arg3[%mul3A_26] : memref<134217728xf32, #tpu.memory_space<hbm>> -> memref<131072xf32, #tpu.memory_space<hbm>>
      %dma_wait3A_328 = tpu.memref_slice %arg6[%mul3A_24] : memref<262144xf32, #tpu.memory_space<vmem_shared>> -> memref<131072xf32, #tpu.memory_space<vmem_shared>>
      tpu.wait_dma2 semaphore(%run_scoped3A : memref<!tpu.dma_semaphore, #tpu.memory_space<semaphore_mem>>) src(%dma_wait3A_328 : memref<131072xf32, #tpu.memory_space<vmem_shared>>) dst(%dma_wait3A : memref<131072xf32, #tpu.memory_space<hbm>>)
      tpu.yield
    }) : () -> ()
    %mul3A_27 = arith.constant 32 : i32
    %mul3A_28 = arith.muli %add3A, %mul3A_27 : i32
    %add3A_29 = arith.constant 2 : i32
    %add3A_30 = arith.addi %mul3A_28, %add3A_29 : i32
    %sub3A_31 = arith.constant 1023 : i32
    %sub3A_32 = arith.subi %sub3A_31, %add3A_30 : i32
    %mul3A_33 = arith.constant 128 : i32
    %mul3A_34 = arith.muli %sub3A_32, %mul3A_33 : i32
    %mul3A_35 = arith.constant 131072 : i32
    %mul3A_36 = arith.muli %add3A_30, %mul3A_35 : i32
    "tpu.region"() ({
      %run_scoped3A = tpu.sem_alloc : memref<!tpu.dma_semaphore, #tpu.memory_space<semaphore_mem>>
      %dma_start3A = tpu.memref_slice %arg3[%mul3A_36] : memref<134217728xf32, #tpu.memory_space<hbm>> -> memref<131072xf32, #tpu.memory_space<hbm>>
      %dma_start3A_327 = tpu.memref_slice %arg6[%mul3A_34] : memref<262144xf32, #tpu.memory_space<vmem_shared>> -> memref<131072xf32, #tpu.memory_space<vmem_shared>>
      tpu.enqueue_dma source(%dma_start3A_327 : memref<131072xf32, #tpu.memory_space<vmem_shared>>) target(%dma_start3A : memref<131072xf32, #tpu.memory_space<hbm>>) target_semaphore(%run_scoped3A : memref<!tpu.dma_semaphore, #tpu.memory_space<semaphore_mem>>)
      %dma_wait3A = tpu.memref_slice %arg3[%mul3A_36] : memref<134217728xf32, #tpu.memory_space<hbm>> -> memref<131072xf32, #tpu.memory_space<hbm>>
      %dma_wait3A_328 = tpu.memref_slice %arg6[%mul3A_34] : memref<262144xf32, #tpu.memory_space<vmem_shared>> -> memref<131072xf32, #tpu.memory_space<vmem_shared>>
      tpu.wait_dma2 semaphore(%run_scoped3A : memref<!tpu.dma_semaphore, #tpu.memory_space<semaphore_mem>>) src(%dma_wait3A_328 : memref<131072xf32, #tpu.memory_space<vmem_shared>>) dst(%dma_wait3A : memref<131072xf32, #tpu.memory_space<hbm>>)
      tpu.yield
    }) : () -> ()
    %mul3A_37 = arith.constant 32 : i32
    %mul3A_38 = arith.muli %add3A, %mul3A_37 : i32
    %add3A_39 = arith.constant 3 : i32
    %add3A_40 = arith.addi %mul3A_38, %add3A_39 : i32
    %sub3A_41 = arith.constant 1023 : i32
    %sub3A_42 = arith.subi %sub3A_41, %add3A_40 : i32
    %mul3A_43 = arith.constant 128 : i32
    %mul3A_44 = arith.muli %sub3A_42, %mul3A_43 : i32
    %mul3A_45 = arith.constant 131072 : i32
    %mul3A_46 = arith.muli %add3A_40, %mul3A_45 : i32
    "tpu.region"() ({
      %run_scoped3A = tpu.sem_alloc : memref<!tpu.dma_semaphore, #tpu.memory_space<semaphore_mem>>
      %dma_start3A = tpu.memref_slice %arg3[%mul3A_46] : memref<134217728xf32, #tpu.memory_space<hbm>> -> memref<131072xf32, #tpu.memory_space<hbm>>
      %dma_start3A_327 = tpu.memref_slice %arg6[%mul3A_44] : memref<262144xf32, #tpu.memory_space<vmem_shared>> -> memref<131072xf32, #tpu.memory_space<vmem_shared>>
      tpu.enqueue_dma source(%dma_start3A_327 : memref<131072xf32, #tpu.memory_space<vmem_shared>>) target(%dma_start3A : memref<131072xf32, #tpu.memory_space<hbm>>) target_semaphore(%run_scoped3A : memref<!tpu.dma_semaphore, #tpu.memory_space<semaphore_mem>>)
      %dma_wait3A = tpu.memref_slice %arg3[%mul3A_46] : memref<134217728xf32, #tpu.memory_space<hbm>> -> memref<131072xf32, #tpu.memory_space<hbm>>
      %dma_wait3A_328 = tpu.memref_slice %arg6[%mul3A_44] : memref<262144xf32, #tpu.memory_space<vmem_shared>> -> memref<131072xf32, #tpu.memory_space<vmem_shared>>
      tpu.wait_dma2 semaphore(%run_scoped3A : memref<!tpu.dma_semaphore, #tpu.memory_space<semaphore_mem>>) src(%dma_wait3A_328 : memref<131072xf32, #tpu.memory_space<vmem_shared>>) dst(%dma_wait3A : memref<131072xf32, #tpu.memory_space<hbm>>)
      tpu.yield
    }) : () -> ()
    %mul3A_47 = arith.constant 32 : i32
    %mul3A_48 = arith.muli %add3A, %mul3A_47 : i32
    %add3A_49 = arith.constant 4 : i32
    %add3A_50 = arith.addi %mul3A_48, %add3A_49 : i32
    %sub3A_51 = arith.constant 1023 : i32
    %sub3A_52 = arith.subi %sub3A_51, %add3A_50 : i32
    %mul3A_53 = arith.constant 128 : i32
    %mul3A_54 = arith.muli %sub3A_52, %mul3A_53 : i32
    %mul3A_55 = arith.constant 131072 : i32
    %mul3A_56 = arith.muli %add3A_50, %mul3A_55 : i32
    "tpu.region"() ({
      %run_scoped3A = tpu.sem_alloc : memref<!tpu.dma_semaphore, #tpu.memory_space<semaphore_mem>>
      %dma_start3A = tpu.memref_slice %arg3[%mul3A_56] : memref<134217728xf32, #tpu.memory_space<hbm>> -> memref<131072xf32, #tpu.memory_space<hbm>>
      %dma_start3A_327 = tpu.memref_slice %arg6[%mul3A_54] : memref<262144xf32, #tpu.memory_space<vmem_shared>> -> memref<131072xf32, #tpu.memory_space<vmem_shared>>
      tpu.enqueue_dma source(%dma_start3A_327 : memref<131072xf32, #tpu.memory_space<vmem_shared>>) target(%dma_start3A : memref<131072xf32, #tpu.memory_space<hbm>>) target_semaphore(%run_scoped3A : memref<!tpu.dma_semaphore, #tpu.memory_space<semaphore_mem>>)
      %dma_wait3A = tpu.memref_slice %arg3[%mul3A_56] : memref<134217728xf32, #tpu.memory_space<hbm>> -> memref<131072xf32, #tpu.memory_space<hbm>>
      %dma_wait3A_328 = tpu.memref_slice %arg6[%mul3A_54] : memref<262144xf32, #tpu.memory_space<vmem_shared>> -> memref<131072xf32, #tpu.memory_space<vmem_shared>>
      tpu.wait_dma2 semaphore(%run_scoped3A : memref<!tpu.dma_semaphore, #tpu.memory_space<semaphore_mem>>) src(%dma_wait3A_328 : memref<131072xf32, #tpu.memory_space<vmem_shared>>) dst(%dma_wait3A : memref<131072xf32, #tpu.memory_space<hbm>>)
      tpu.yield
    }) : () -> ()
    %mul3A_57 = arith.constant 32 : i32
    %mul3A_58 = arith.muli %add3A, %mul3A_57 : i32
    %add3A_59 = arith.constant 5 : i32
    %add3A_60 = arith.addi %mul3A_58, %add3A_59 : i32
    %sub3A_61 = arith.constant 1023 : i32
    %sub3A_62 = arith.subi %sub3A_61, %add3A_60 : i32
    %mul3A_63 = arith.constant 128 : i32
    %mul3A_64 = arith.muli %sub3A_62, %mul3A_63 : i32
    %mul3A_65 = arith.constant 131072 : i32
    %mul3A_66 = arith.muli %add3A_60, %mul3A_65 : i32
    "tpu.region"() ({
      %run_scoped3A = tpu.sem_alloc : memref<!tpu.dma_semaphore, #tpu.memory_space<semaphore_mem>>
      %dma_start3A = tpu.memref_slice %arg3[%mul3A_66] : memref<134217728xf32, #tpu.memory_space<hbm>> -> memref<131072xf32, #tpu.memory_space<hbm>>
      %dma_start3A_327 = tpu.memref_slice %arg6[%mul3A_64] : memref<262144xf32, #tpu.memory_space<vmem_shared>> -> memref<131072xf32, #tpu.memory_space<vmem_shared>>
      tpu.enqueue_dma source(%dma_start3A_327 : memref<131072xf32, #tpu.memory_space<vmem_shared>>) target(%dma_start3A : memref<131072xf32, #tpu.memory_space<hbm>>) target_semaphore(%run_scoped3A : memref<!tpu.dma_semaphore, #tpu.memory_space<semaphore_mem>>)
      %dma_wait3A = tpu.memref_slice %arg3[%mul3A_66] : memref<134217728xf32, #tpu.memory_space<hbm>> -> memref<131072xf32, #tpu.memory_space<hbm>>
      %dma_wait3A_328 = tpu.memref_slice %arg6[%mul3A_64] : memref<262144xf32, #tpu.memory_space<vmem_shared>> -> memref<131072xf32, #tpu.memory_space<vmem_shared>>
      tpu.wait_dma2 semaphore(%run_scoped3A : memref<!tpu.dma_semaphore, #tpu.memory_space<semaphore_mem>>) src(%dma_wait3A_328 : memref<131072xf32, #tpu.memory_space<vmem_shared>>) dst(%dma_wait3A : memref<131072xf32, #tpu.memory_space<hbm>>)
      tpu.yield
    }) : () -> ()
    %mul3A_67 = arith.constant 32 : i32
    %mul3A_68 = arith.muli %add3A, %mul3A_67 : i32
    %add3A_69 = arith.constant 6 : i32
    %add3A_70 = arith.addi %mul3A_68, %add3A_69 : i32
    %sub3A_71 = arith.constant 1023 : i32
    %sub3A_72 = arith.subi %sub3A_71, %add3A_70 : i32
    %mul3A_73 = arith.constant 128 : i32
    %mul3A_74 = arith.muli %sub3A_72, %mul3A_73 : i32
    %mul3A_75 = arith.constant 131072 : i32
    %mul3A_76 = arith.muli %add3A_70, %mul3A_75 : i32
    "tpu.region"() ({
      %run_scoped3A = tpu.sem_alloc : memref<!tpu.dma_semaphore, #tpu.memory_space<semaphore_mem>>
      %dma_start3A = tpu.memref_slice %arg3[%mul3A_76] : memref<134217728xf32, #tpu.memory_space<hbm>> -> memref<131072xf32, #tpu.memory_space<hbm>>
      %dma_start3A_327 = tpu.memref_slice %arg6[%mul3A_74] : memref<262144xf32, #tpu.memory_space<vmem_shared>> -> memref<131072xf32, #tpu.memory_space<vmem_shared>>
      tpu.enqueue_dma source(%dma_start3A_327 : memref<131072xf32, #tpu.memory_space<vmem_shared>>) target(%dma_start3A : memref<131072xf32, #tpu.memory_space<hbm>>) target_semaphore(%run_scoped3A : memref<!tpu.dma_semaphore, #tpu.memory_space<semaphore_mem>>)
      %dma_wait3A = tpu.memref_slice %arg3[%mul3A_76] : memref<134217728xf32, #tpu.memory_space<hbm>> -> memref<131072xf32, #tpu.memory_space<hbm>>
      %dma_wait3A_328 = tpu.memref_slice %arg6[%mul3A_74] : memref<262144xf32, #tpu.memory_space<vmem_shared>> -> memref<131072xf32, #tpu.memory_space<vmem_shared>>
      tpu.wait_dma2 semaphore(%run_scoped3A : memref<!tpu.dma_semaphore, #tpu.memory_space<semaphore_mem>>) src(%dma_wait3A_328 : memref<131072xf32, #tpu.memory_space<vmem_shared>>) dst(%dma_wait3A : memref<131072xf32, #tpu.memory_space<hbm>>)
      tpu.yield
    }) : () -> ()
    %mul3A_77 = arith.constant 32 : i32
    %mul3A_78 = arith.muli %add3A, %mul3A_77 : i32
    %add3A_79 = arith.constant 7 : i32
    %add3A_80 = arith.addi %mul3A_78, %add3A_79 : i32
    %sub3A_81 = arith.constant 1023 : i32
    %sub3A_82 = arith.subi %sub3A_81, %add3A_80 : i32
    %mul3A_83 = arith.constant 128 : i32
    %mul3A_84 = arith.muli %sub3A_82, %mul3A_83 : i32
    %mul3A_85 = arith.constant 131072 : i32
    %mul3A_86 = arith.muli %add3A_80, %mul3A_85 : i32
    "tpu.region"() ({
      %run_scoped3A = tpu.sem_alloc : memref<!tpu.dma_semaphore, #tpu.memory_space<semaphore_mem>>
      %dma_start3A = tpu.memref_slice %arg3[%mul3A_86] : memref<134217728xf32, #tpu.memory_space<hbm>> -> memref<131072xf32, #tpu.memory_space<hbm>>
      %dma_start3A_327 = tpu.memref_slice %arg6[%mul3A_84] : memref<262144xf32, #tpu.memory_space<vmem_shared>> -> memref<131072xf32, #tpu.memory_space<vmem_shared>>
      tpu.enqueue_dma source(%dma_start3A_327 : memref<131072xf32, #tpu.memory_space<vmem_shared>>) target(%dma_start3A : memref<131072xf32, #tpu.memory_space<hbm>>) target_semaphore(%run_scoped3A : memref<!tpu.dma_semaphore, #tpu.memory_space<semaphore_mem>>)
      %dma_wait3A = tpu.memref_slice %arg3[%mul3A_86] : memref<134217728xf32, #tpu.memory_space<hbm>> -> memref<131072xf32, #tpu.memory_space<hbm>>
      %dma_wait3A_328 = tpu.memref_slice %arg6[%mul3A_84] : memref<262144xf32, #tpu.memory_space<vmem_shared>> -> memref<131072xf32, #tpu.memory_space<vmem_shared>>
      tpu.wait_dma2 semaphore(%run_scoped3A : memref<!tpu.dma_semaphore, #tpu.memory_space<semaphore_mem>>) src(%dma_wait3A_328 : memref<131072xf32, #tpu.memory_space<vmem_shared>>) dst(%dma_wait3A : memref<131072xf32, #tpu.memory_space<hbm>>)
      tpu.yield
    }) : () -> ()
    %mul3A_87 = arith.constant 32 : i32
    %mul3A_88 = arith.muli %add3A, %mul3A_87 : i32
    %add3A_89 = arith.constant 8 : i32
    %add3A_90 = arith.addi %mul3A_88, %add3A_89 : i32
    %sub3A_91 = arith.constant 1023 : i32
    %sub3A_92 = arith.subi %sub3A_91, %add3A_90 : i32
    %mul3A_93 = arith.constant 128 : i32
    %mul3A_94 = arith.muli %sub3A_92, %mul3A_93 : i32
    %mul3A_95 = arith.constant 131072 : i32
    %mul3A_96 = arith.muli %add3A_90, %mul3A_95 : i32
    "tpu.region"() ({
      %run_scoped3A = tpu.sem_alloc : memref<!tpu.dma_semaphore, #tpu.memory_space<semaphore_mem>>
      %dma_start3A = tpu.memref_slice %arg3[%mul3A_96] : memref<134217728xf32, #tpu.memory_space<hbm>> -> memref<131072xf32, #tpu.memory_space<hbm>>
      %dma_start3A_327 = tpu.memref_slice %arg6[%mul3A_94] : memref<262144xf32, #tpu.memory_space<vmem_shared>> -> memref<131072xf32, #tpu.memory_space<vmem_shared>>
      tpu.enqueue_dma source(%dma_start3A_327 : memref<131072xf32, #tpu.memory_space<vmem_shared>>) target(%dma_start3A : memref<131072xf32, #tpu.memory_space<hbm>>) target_semaphore(%run_scoped3A : memref<!tpu.dma_semaphore, #tpu.memory_space<semaphore_mem>>)
      %dma_wait3A = tpu.memref_slice %arg3[%mul3A_96] : memref<134217728xf32, #tpu.memory_space<hbm>> -> memref<131072xf32, #tpu.memory_space<hbm>>
      %dma_wait3A_328 = tpu.memref_slice %arg6[%mul3A_94] : memref<262144xf32, #tpu.memory_space<vmem_shared>> -> memref<131072xf32, #tpu.memory_space<vmem_shared>>
      tpu.wait_dma2 semaphore(%run_scoped3A : memref<!tpu.dma_semaphore, #tpu.memory_space<semaphore_mem>>) src(%dma_wait3A_328 : memref<131072xf32, #tpu.memory_space<vmem_shared>>) dst(%dma_wait3A : memref<131072xf32, #tpu.memory_space<hbm>>)
      tpu.yield
    }) : () -> ()
    %mul3A_97 = arith.constant 32 : i32
    %mul3A_98 = arith.muli %add3A, %mul3A_97 : i32
    %add3A_99 = arith.constant 9 : i32
    %add3A_100 = arith.addi %mul3A_98, %add3A_99 : i32
    %sub3A_101 = arith.constant 1023 : i32
    %sub3A_102 = arith.subi %sub3A_101, %add3A_100 : i32
    %mul3A_103 = arith.constant 128 : i32
    %mul3A_104 = arith.muli %sub3A_102, %mul3A_103 : i32
    %mul3A_105 = arith.constant 131072 : i32
    %mul3A_106 = arith.muli %add3A_100, %mul3A_105 : i32
    "tpu.region"() ({
      %run_scoped3A = tpu.sem_alloc : memref<!tpu.dma_semaphore, #tpu.memory_space<semaphore_mem>>
      %dma_start3A = tpu.memref_slice %arg3[%mul3A_106] : memref<134217728xf32, #tpu.memory_space<hbm>> -> memref<131072xf32, #tpu.memory_space<hbm>>
      %dma_start3A_327 = tpu.memref_slice %arg6[%mul3A_104] : memref<262144xf32, #tpu.memory_space<vmem_shared>> -> memref<131072xf32, #tpu.memory_space<vmem_shared>>
      tpu.enqueue_dma source(%dma_start3A_327 : memref<131072xf32, #tpu.memory_space<vmem_shared>>) target(%dma_start3A : memref<131072xf32, #tpu.memory_space<hbm>>) target_semaphore(%run_scoped3A : memref<!tpu.dma_semaphore, #tpu.memory_space<semaphore_mem>>)
      %dma_wait3A = tpu.memref_slice %arg3[%mul3A_106] : memref<134217728xf32, #tpu.memory_space<hbm>> -> memref<131072xf32, #tpu.memory_space<hbm>>
      %dma_wait3A_328 = tpu.memref_slice %arg6[%mul3A_104] : memref<262144xf32, #tpu.memory_space<vmem_shared>> -> memref<131072xf32, #tpu.memory_space<vmem_shared>>
      tpu.wait_dma2 semaphore(%run_scoped3A : memref<!tpu.dma_semaphore, #tpu.memory_space<semaphore_mem>>) src(%dma_wait3A_328 : memref<131072xf32, #tpu.memory_space<vmem_shared>>) dst(%dma_wait3A : memref<131072xf32, #tpu.memory_space<hbm>>)
      tpu.yield
    }) : () -> ()
    %mul3A_107 = arith.constant 32 : i32
    %mul3A_108 = arith.muli %add3A, %mul3A_107 : i32
    %add3A_109 = arith.constant 10 : i32
    %add3A_110 = arith.addi %mul3A_108, %add3A_109 : i32
    %sub3A_111 = arith.constant 1023 : i32
    %sub3A_112 = arith.subi %sub3A_111, %add3A_110 : i32
    %mul3A_113 = arith.constant 128 : i32
    %mul3A_114 = arith.muli %sub3A_112, %mul3A_113 : i32
    %mul3A_115 = arith.constant 131072 : i32
    %mul3A_116 = arith.muli %add3A_110, %mul3A_115 : i32
    "tpu.region"() ({
      %run_scoped3A = tpu.sem_alloc : memref<!tpu.dma_semaphore, #tpu.memory_space<semaphore_mem>>
      %dma_start3A = tpu.memref_slice %arg3[%mul3A_116] : memref<134217728xf32, #tpu.memory_space<hbm>> -> memref<131072xf32, #tpu.memory_space<hbm>>
      %dma_start3A_327 = tpu.memref_slice %arg6[%mul3A_114] : memref<262144xf32, #tpu.memory_space<vmem_shared>> -> memref<131072xf32, #tpu.memory_space<vmem_shared>>
      tpu.enqueue_dma source(%dma_start3A_327 : memref<131072xf32, #tpu.memory_space<vmem_shared>>) target(%dma_start3A : memref<131072xf32, #tpu.memory_space<hbm>>) target_semaphore(%run_scoped3A : memref<!tpu.dma_semaphore, #tpu.memory_space<semaphore_mem>>)
      %dma_wait3A = tpu.memref_slice %arg3[%mul3A_116] : memref<134217728xf32, #tpu.memory_space<hbm>> -> memref<131072xf32, #tpu.memory_space<hbm>>
      %dma_wait3A_328 = tpu.memref_slice %arg6[%mul3A_114] : memref<262144xf32, #tpu.memory_space<vmem_shared>> -> memref<131072xf32, #tpu.memory_space<vmem_shared>>
      tpu.wait_dma2 semaphore(%run_scoped3A : memref<!tpu.dma_semaphore, #tpu.memory_space<semaphore_mem>>) src(%dma_wait3A_328 : memref<131072xf32, #tpu.memory_space<vmem_shared>>) dst(%dma_wait3A : memref<131072xf32, #tpu.memory_space<hbm>>)
      tpu.yield
    }) : () -> ()
    %mul3A_117 = arith.constant 32 : i32
    %mul3A_118 = arith.muli %add3A, %mul3A_117 : i32
    %add3A_119 = arith.constant 11 : i32
    %add3A_120 = arith.addi %mul3A_118, %add3A_119 : i32
    %sub3A_121 = arith.constant 1023 : i32
    %sub3A_122 = arith.subi %sub3A_121, %add3A_120 : i32
    %mul3A_123 = arith.constant 128 : i32
    %mul3A_124 = arith.muli %sub3A_122, %mul3A_123 : i32
    %mul3A_125 = arith.constant 131072 : i32
    %mul3A_126 = arith.muli %add3A_120, %mul3A_125 : i32
    "tpu.region"() ({
      %run_scoped3A = tpu.sem_alloc : memref<!tpu.dma_semaphore, #tpu.memory_space<semaphore_mem>>
      %dma_start3A = tpu.memref_slice %arg3[%mul3A_126] : memref<134217728xf32, #tpu.memory_space<hbm>> -> memref<131072xf32, #tpu.memory_space<hbm>>
      %dma_start3A_327 = tpu.memref_slice %arg6[%mul3A_124] : memref<262144xf32, #tpu.memory_space<vmem_shared>> -> memref<131072xf32, #tpu.memory_space<vmem_shared>>
      tpu.enqueue_dma source(%dma_start3A_327 : memref<131072xf32, #tpu.memory_space<vmem_shared>>) target(%dma_start3A : memref<131072xf32, #tpu.memory_space<hbm>>) target_semaphore(%run_scoped3A : memref<!tpu.dma_semaphore, #tpu.memory_space<semaphore_mem>>)
      %dma_wait3A = tpu.memref_slice %arg3[%mul3A_126] : memref<134217728xf32, #tpu.memory_space<hbm>> -> memref<131072xf32, #tpu.memory_space<hbm>>
      %dma_wait3A_328 = tpu.memref_slice %arg6[%mul3A_124] : memref<262144xf32, #tpu.memory_space<vmem_shared>> -> memref<131072xf32, #tpu.memory_space<vmem_shared>>
      tpu.wait_dma2 semaphore(%run_scoped3A : memref<!tpu.dma_semaphore, #tpu.memory_space<semaphore_mem>>) src(%dma_wait3A_328 : memref<131072xf32, #tpu.memory_space<vmem_shared>>) dst(%dma_wait3A : memref<131072xf32, #tpu.memory_space<hbm>>)
      tpu.yield
    }) : () -> ()
    %mul3A_127 = arith.constant 32 : i32
    %mul3A_128 = arith.muli %add3A, %mul3A_127 : i32
    %add3A_129 = arith.constant 12 : i32
    %add3A_130 = arith.addi %mul3A_128, %add3A_129 : i32
    %sub3A_131 = arith.constant 1023 : i32
    %sub3A_132 = arith.subi %sub3A_131, %add3A_130 : i32
    %mul3A_133 = arith.constant 128 : i32
    %mul3A_134 = arith.muli %sub3A_132, %mul3A_133 : i32
    %mul3A_135 = arith.constant 131072 : i32
    %mul3A_136 = arith.muli %add3A_130, %mul3A_135 : i32
    "tpu.region"() ({
      %run_scoped3A = tpu.sem_alloc : memref<!tpu.dma_semaphore, #tpu.memory_space<semaphore_mem>>
      %dma_start3A = tpu.memref_slice %arg3[%mul3A_136] : memref<134217728xf32, #tpu.memory_space<hbm>> -> memref<131072xf32, #tpu.memory_space<hbm>>
      %dma_start3A_327 = tpu.memref_slice %arg6[%mul3A_134] : memref<262144xf32, #tpu.memory_space<vmem_shared>> -> memref<131072xf32, #tpu.memory_space<vmem_shared>>
      tpu.enqueue_dma source(%dma_start3A_327 : memref<131072xf32, #tpu.memory_space<vmem_shared>>) target(%dma_start3A : memref<131072xf32, #tpu.memory_space<hbm>>) target_semaphore(%run_scoped3A : memref<!tpu.dma_semaphore, #tpu.memory_space<semaphore_mem>>)
      %dma_wait3A = tpu.memref_slice %arg3[%mul3A_136] : memref<134217728xf32, #tpu.memory_space<hbm>> -> memref<131072xf32, #tpu.memory_space<hbm>>
      %dma_wait3A_328 = tpu.memref_slice %arg6[%mul3A_134] : memref<262144xf32, #tpu.memory_space<vmem_shared>> -> memref<131072xf32, #tpu.memory_space<vmem_shared>>
      tpu.wait_dma2 semaphore(%run_scoped3A : memref<!tpu.dma_semaphore, #tpu.memory_space<semaphore_mem>>) src(%dma_wait3A_328 : memref<131072xf32, #tpu.memory_space<vmem_shared>>) dst(%dma_wait3A : memref<131072xf32, #tpu.memory_space<hbm>>)
      tpu.yield
    }) : () -> ()
    %mul3A_137 = arith.constant 32 : i32
    %mul3A_138 = arith.muli %add3A, %mul3A_137 : i32
    %add3A_139 = arith.constant 13 : i32
    %add3A_140 = arith.addi %mul3A_138, %add3A_139 : i32
    %sub3A_141 = arith.constant 1023 : i32
    %sub3A_142 = arith.subi %sub3A_141, %add3A_140 : i32
    %mul3A_143 = arith.constant 128 : i32
    %mul3A_144 = arith.muli %sub3A_142, %mul3A_143 : i32
    %mul3A_145 = arith.constant 131072 : i32
    %mul3A_146 = arith.muli %add3A_140, %mul3A_145 : i32
    "tpu.region"() ({
      %run_scoped3A = tpu.sem_alloc : memref<!tpu.dma_semaphore, #tpu.memory_space<semaphore_mem>>
      %dma_start3A = tpu.memref_slice %arg3[%mul3A_146] : memref<134217728xf32, #tpu.memory_space<hbm>> -> memref<131072xf32, #tpu.memory_space<hbm>>
      %dma_start3A_327 = tpu.memref_slice %arg6[%mul3A_144] : memref<262144xf32, #tpu.memory_space<vmem_shared>> -> memref<131072xf32, #tpu.memory_space<vmem_shared>>
      tpu.enqueue_dma source(%dma_start3A_327 : memref<131072xf32, #tpu.memory_space<vmem_shared>>) target(%dma_start3A : memref<131072xf32, #tpu.memory_space<hbm>>) target_semaphore(%run_scoped3A : memref<!tpu.dma_semaphore, #tpu.memory_space<semaphore_mem>>)
      %dma_wait3A = tpu.memref_slice %arg3[%mul3A_146] : memref<134217728xf32, #tpu.memory_space<hbm>> -> memref<131072xf32, #tpu.memory_space<hbm>>
      %dma_wait3A_328 = tpu.memref_slice %arg6[%mul3A_144] : memref<262144xf32, #tpu.memory_space<vmem_shared>> -> memref<131072xf32, #tpu.memory_space<vmem_shared>>
      tpu.wait_dma2 semaphore(%run_scoped3A : memref<!tpu.dma_semaphore, #tpu.memory_space<semaphore_mem>>) src(%dma_wait3A_328 : memref<131072xf32, #tpu.memory_space<vmem_shared>>) dst(%dma_wait3A : memref<131072xf32, #tpu.memory_space<hbm>>)
      tpu.yield
    }) : () -> ()
    %mul3A_147 = arith.constant 32 : i32
    %mul3A_148 = arith.muli %add3A, %mul3A_147 : i32
    %add3A_149 = arith.constant 14 : i32
    %add3A_150 = arith.addi %mul3A_148, %add3A_149 : i32
    %sub3A_151 = arith.constant 1023 : i32
    %sub3A_152 = arith.subi %sub3A_151, %add3A_150 : i32
    %mul3A_153 = arith.constant 128 : i32
    %mul3A_154 = arith.muli %sub3A_152, %mul3A_153 : i32
    %mul3A_155 = arith.constant 131072 : i32
    %mul3A_156 = arith.muli %add3A_150, %mul3A_155 : i32
    "tpu.region"() ({
      %run_scoped3A = tpu.sem_alloc : memref<!tpu.dma_semaphore, #tpu.memory_space<semaphore_mem>>
      %dma_start3A = tpu.memref_slice %arg3[%mul3A_156] : memref<134217728xf32, #tpu.memory_space<hbm>> -> memref<131072xf32, #tpu.memory_space<hbm>>
      %dma_start3A_327 = tpu.memref_slice %arg6[%mul3A_154] : memref<262144xf32, #tpu.memory_space<vmem_shared>> -> memref<131072xf32, #tpu.memory_space<vmem_shared>>
      tpu.enqueue_dma source(%dma_start3A_327 : memref<131072xf32, #tpu.memory_space<vmem_shared>>) target(%dma_start3A : memref<131072xf32, #tpu.memory_space<hbm>>) target_semaphore(%run_scoped3A : memref<!tpu.dma_semaphore, #tpu.memory_space<semaphore_mem>>)
      %dma_wait3A = tpu.memref_slice %arg3[%mul3A_156] : memref<134217728xf32, #tpu.memory_space<hbm>> -> memref<131072xf32, #tpu.memory_space<hbm>>
      %dma_wait3A_328 = tpu.memref_slice %arg6[%mul3A_154] : memref<262144xf32, #tpu.memory_space<vmem_shared>> -> memref<131072xf32, #tpu.memory_space<vmem_shared>>
      tpu.wait_dma2 semaphore(%run_scoped3A : memref<!tpu.dma_semaphore, #tpu.memory_space<semaphore_mem>>) src(%dma_wait3A_328 : memref<131072xf32, #tpu.memory_space<vmem_shared>>) dst(%dma_wait3A : memref<131072xf32, #tpu.memory_space<hbm>>)
      tpu.yield
    }) : () -> ()
    %mul3A_157 = arith.constant 32 : i32
    %mul3A_158 = arith.muli %add3A, %mul3A_157 : i32
    %add3A_159 = arith.constant 15 : i32
    %add3A_160 = arith.addi %mul3A_158, %add3A_159 : i32
    %sub3A_161 = arith.constant 1023 : i32
    %sub3A_162 = arith.subi %sub3A_161, %add3A_160 : i32
    %mul3A_163 = arith.constant 128 : i32
    %mul3A_164 = arith.muli %sub3A_162, %mul3A_163 : i32
    %mul3A_165 = arith.constant 131072 : i32
    %mul3A_166 = arith.muli %add3A_160, %mul3A_165 : i32
    "tpu.region"() ({
      %run_scoped3A = tpu.sem_alloc : memref<!tpu.dma_semaphore, #tpu.memory_space<semaphore_mem>>
      %dma_start3A = tpu.memref_slice %arg3[%mul3A_166] : memref<134217728xf32, #tpu.memory_space<hbm>> -> memref<131072xf32, #tpu.memory_space<hbm>>
      %dma_start3A_327 = tpu.memref_slice %arg6[%mul3A_164] : memref<262144xf32, #tpu.memory_space<vmem_shared>> -> memref<131072xf32, #tpu.memory_space<vmem_shared>>
      tpu.enqueue_dma source(%dma_start3A_327 : memref<131072xf32, #tpu.memory_space<vmem_shared>>) target(%dma_start3A : memref<131072xf32, #tpu.memory_space<hbm>>) target_semaphore(%run_scoped3A : memref<!tpu.dma_semaphore, #tpu.memory_space<semaphore_mem>>)
      %dma_wait3A = tpu.memref_slice %arg3[%mul3A_166] : memref<134217728xf32, #tpu.memory_space<hbm>> -> memref<131072xf32, #tpu.memory_space<hbm>>
      %dma_wait3A_328 = tpu.memref_slice %arg6[%mul3A_164] : memref<262144xf32, #tpu.memory_space<vmem_shared>> -> memref<131072xf32, #tpu.memory_space<vmem_shared>>
      tpu.wait_dma2 semaphore(%run_scoped3A : memref<!tpu.dma_semaphore, #tpu.memory_space<semaphore_mem>>) src(%dma_wait3A_328 : memref<131072xf32, #tpu.memory_space<vmem_shared>>) dst(%dma_wait3A : memref<131072xf32, #tpu.memory_space<hbm>>)
      tpu.yield
    }) : () -> ()
    %mul3A_167 = arith.constant 32 : i32
    %mul3A_168 = arith.muli %add3A, %mul3A_167 : i32
    %add3A_169 = arith.constant 16 : i32
    %add3A_170 = arith.addi %mul3A_168, %add3A_169 : i32
    %sub3A_171 = arith.constant 1023 : i32
    %sub3A_172 = arith.subi %sub3A_171, %add3A_170 : i32
    %mul3A_173 = arith.constant 128 : i32
    %mul3A_174 = arith.muli %sub3A_172, %mul3A_173 : i32
    %mul3A_175 = arith.constant 131072 : i32
    %mul3A_176 = arith.muli %add3A_170, %mul3A_175 : i32
    "tpu.region"() ({
      %run_scoped3A = tpu.sem_alloc : memref<!tpu.dma_semaphore, #tpu.memory_space<semaphore_mem>>
      %dma_start3A = tpu.memref_slice %arg3[%mul3A_176] : memref<134217728xf32, #tpu.memory_space<hbm>> -> memref<131072xf32, #tpu.memory_space<hbm>>
      %dma_start3A_327 = tpu.memref_slice %arg6[%mul3A_174] : memref<262144xf32, #tpu.memory_space<vmem_shared>> -> memref<131072xf32, #tpu.memory_space<vmem_shared>>
      tpu.enqueue_dma source(%dma_start3A_327 : memref<131072xf32, #tpu.memory_space<vmem_shared>>) target(%dma_start3A : memref<131072xf32, #tpu.memory_space<hbm>>) target_semaphore(%run_scoped3A : memref<!tpu.dma_semaphore, #tpu.memory_space<semaphore_mem>>)
      %dma_wait3A = tpu.memref_slice %arg3[%mul3A_176] : memref<134217728xf32, #tpu.memory_space<hbm>> -> memref<131072xf32, #tpu.memory_space<hbm>>
      %dma_wait3A_328 = tpu.memref_slice %arg6[%mul3A_174] : memref<262144xf32, #tpu.memory_space<vmem_shared>> -> memref<131072xf32, #tpu.memory_space<vmem_shared>>
      tpu.wait_dma2 semaphore(%run_scoped3A : memref<!tpu.dma_semaphore, #tpu.memory_space<semaphore_mem>>) src(%dma_wait3A_328 : memref<131072xf32, #tpu.memory_space<vmem_shared>>) dst(%dma_wait3A : memref<131072xf32, #tpu.memory_space<hbm>>)
      tpu.yield
    }) : () -> ()
    %mul3A_177 = arith.constant 32 : i32
    %mul3A_178 = arith.muli %add3A, %mul3A_177 : i32
    %add3A_179 = arith.constant 17 : i32
    %add3A_180 = arith.addi %mul3A_178, %add3A_179 : i32
    %sub3A_181 = arith.constant 1023 : i32
    %sub3A_182 = arith.subi %sub3A_181, %add3A_180 : i32
    %mul3A_183 = arith.constant 128 : i32
    %mul3A_184 = arith.muli %sub3A_182, %mul3A_183 : i32
    %mul3A_185 = arith.constant 131072 : i32
    %mul3A_186 = arith.muli %add3A_180, %mul3A_185 : i32
    "tpu.region"() ({
      %run_scoped3A = tpu.sem_alloc : memref<!tpu.dma_semaphore, #tpu.memory_space<semaphore_mem>>
      %dma_start3A = tpu.memref_slice %arg3[%mul3A_186] : memref<134217728xf32, #tpu.memory_space<hbm>> -> memref<131072xf32, #tpu.memory_space<hbm>>
      %dma_start3A_327 = tpu.memref_slice %arg6[%mul3A_184] : memref<262144xf32, #tpu.memory_space<vmem_shared>> -> memref<131072xf32, #tpu.memory_space<vmem_shared>>
      tpu.enqueue_dma source(%dma_start3A_327 : memref<131072xf32, #tpu.memory_space<vmem_shared>>) target(%dma_start3A : memref<131072xf32, #tpu.memory_space<hbm>>) target_semaphore(%run_scoped3A : memref<!tpu.dma_semaphore, #tpu.memory_space<semaphore_mem>>)
      %dma_wait3A = tpu.memref_slice %arg3[%mul3A_186] : memref<134217728xf32, #tpu.memory_space<hbm>> -> memref<131072xf32, #tpu.memory_space<hbm>>
      %dma_wait3A_328 = tpu.memref_slice %arg6[%mul3A_184] : memref<262144xf32, #tpu.memory_space<vmem_shared>> -> memref<131072xf32, #tpu.memory_space<vmem_shared>>
      tpu.wait_dma2 semaphore(%run_scoped3A : memref<!tpu.dma_semaphore, #tpu.memory_space<semaphore_mem>>) src(%dma_wait3A_328 : memref<131072xf32, #tpu.memory_space<vmem_shared>>) dst(%dma_wait3A : memref<131072xf32, #tpu.memory_space<hbm>>)
      tpu.yield
    }) : () -> ()
    %mul3A_187 = arith.constant 32 : i32
    %mul3A_188 = arith.muli %add3A, %mul3A_187 : i32
    %add3A_189 = arith.constant 18 : i32
    %add3A_190 = arith.addi %mul3A_188, %add3A_189 : i32
    %sub3A_191 = arith.constant 1023 : i32
    %sub3A_192 = arith.subi %sub3A_191, %add3A_190 : i32
    %mul3A_193 = arith.constant 128 : i32
    %mul3A_194 = arith.muli %sub3A_192, %mul3A_193 : i32
    %mul3A_195 = arith.constant 131072 : i32
    %mul3A_196 = arith.muli %add3A_190, %mul3A_195 : i32
    "tpu.region"() ({
      %run_scoped3A = tpu.sem_alloc : memref<!tpu.dma_semaphore, #tpu.memory_space<semaphore_mem>>
      %dma_start3A = tpu.memref_slice %arg3[%mul3A_196] : memref<134217728xf32, #tpu.memory_space<hbm>> -> memref<131072xf32, #tpu.memory_space<hbm>>
      %dma_start3A_327 = tpu.memref_slice %arg6[%mul3A_194] : memref<262144xf32, #tpu.memory_space<vmem_shared>> -> memref<131072xf32, #tpu.memory_space<vmem_shared>>
      tpu.enqueue_dma source(%dma_start3A_327 : memref<131072xf32, #tpu.memory_space<vmem_shared>>) target(%dma_start3A : memref<131072xf32, #tpu.memory_space<hbm>>) target_semaphore(%run_scoped3A : memref<!tpu.dma_semaphore, #tpu.memory_space<semaphore_mem>>)
      %dma_wait3A = tpu.memref_slice %arg3[%mul3A_196] : memref<134217728xf32, #tpu.memory_space<hbm>> -> memref<131072xf32, #tpu.memory_space<hbm>>
      %dma_wait3A_328 = tpu.memref_slice %arg6[%mul3A_194] : memref<262144xf32, #tpu.memory_space<vmem_shared>> -> memref<131072xf32, #tpu.memory_space<vmem_shared>>
      tpu.wait_dma2 semaphore(%run_scoped3A : memref<!tpu.dma_semaphore, #tpu.memory_space<semaphore_mem>>) src(%dma_wait3A_328 : memref<131072xf32, #tpu.memory_space<vmem_shared>>) dst(%dma_wait3A : memref<131072xf32, #tpu.memory_space<hbm>>)
      tpu.yield
    }) : () -> ()
    %mul3A_197 = arith.constant 32 : i32
    %mul3A_198 = arith.muli %add3A, %mul3A_197 : i32
    %add3A_199 = arith.constant 19 : i32
    %add3A_200 = arith.addi %mul3A_198, %add3A_199 : i32
    %sub3A_201 = arith.constant 1023 : i32
    %sub3A_202 = arith.subi %sub3A_201, %add3A_200 : i32
    %mul3A_203 = arith.constant 128 : i32
    %mul3A_204 = arith.muli %sub3A_202, %mul3A_203 : i32
    %mul3A_205 = arith.constant 131072 : i32
    %mul3A_206 = arith.muli %add3A_200, %mul3A_205 : i32
    "tpu.region"() ({
      %run_scoped3A = tpu.sem_alloc : memref<!tpu.dma_semaphore, #tpu.memory_space<semaphore_mem>>
      %dma_start3A = tpu.memref_slice %arg3[%mul3A_206] : memref<134217728xf32, #tpu.memory_space<hbm>> -> memref<131072xf32, #tpu.memory_space<hbm>>
      %dma_start3A_327 = tpu.memref_slice %arg6[%mul3A_204] : memref<262144xf32, #tpu.memory_space<vmem_shared>> -> memref<131072xf32, #tpu.memory_space<vmem_shared>>
      tpu.enqueue_dma source(%dma_start3A_327 : memref<131072xf32, #tpu.memory_space<vmem_shared>>) target(%dma_start3A : memref<131072xf32, #tpu.memory_space<hbm>>) target_semaphore(%run_scoped3A : memref<!tpu.dma_semaphore, #tpu.memory_space<semaphore_mem>>)
      %dma_wait3A = tpu.memref_slice %arg3[%mul3A_206] : memref<134217728xf32, #tpu.memory_space<hbm>> -> memref<131072xf32, #tpu.memory_space<hbm>>
      %dma_wait3A_328 = tpu.memref_slice %arg6[%mul3A_204] : memref<262144xf32, #tpu.memory_space<vmem_shared>> -> memref<131072xf32, #tpu.memory_space<vmem_shared>>
      tpu.wait_dma2 semaphore(%run_scoped3A : memref<!tpu.dma_semaphore, #tpu.memory_space<semaphore_mem>>) src(%dma_wait3A_328 : memref<131072xf32, #tpu.memory_space<vmem_shared>>) dst(%dma_wait3A : memref<131072xf32, #tpu.memory_space<hbm>>)
      tpu.yield
    }) : () -> ()
    %mul3A_207 = arith.constant 32 : i32
    %mul3A_208 = arith.muli %add3A, %mul3A_207 : i32
    %add3A_209 = arith.constant 20 : i32
    %add3A_210 = arith.addi %mul3A_208, %add3A_209 : i32
    %sub3A_211 = arith.constant 1023 : i32
    %sub3A_212 = arith.subi %sub3A_211, %add3A_210 : i32
    %mul3A_213 = arith.constant 128 : i32
    %mul3A_214 = arith.muli %sub3A_212, %mul3A_213 : i32
    %mul3A_215 = arith.constant 131072 : i32
    %mul3A_216 = arith.muli %add3A_210, %mul3A_215 : i32
    "tpu.region"() ({
      %run_scoped3A = tpu.sem_alloc : memref<!tpu.dma_semaphore, #tpu.memory_space<semaphore_mem>>
      %dma_start3A = tpu.memref_slice %arg3[%mul3A_216] : memref<134217728xf32, #tpu.memory_space<hbm>> -> memref<131072xf32, #tpu.memory_space<hbm>>
      %dma_start3A_327 = tpu.memref_slice %arg6[%mul3A_214] : memref<262144xf32, #tpu.memory_space<vmem_shared>> -> memref<131072xf32, #tpu.memory_space<vmem_shared>>
      tpu.enqueue_dma source(%dma_start3A_327 : memref<131072xf32, #tpu.memory_space<vmem_shared>>) target(%dma_start3A : memref<131072xf32, #tpu.memory_space<hbm>>) target_semaphore(%run_scoped3A : memref<!tpu.dma_semaphore, #tpu.memory_space<semaphore_mem>>)
      %dma_wait3A = tpu.memref_slice %arg3[%mul3A_216] : memref<134217728xf32, #tpu.memory_space<hbm>> -> memref<131072xf32, #tpu.memory_space<hbm>>
      %dma_wait3A_328 = tpu.memref_slice %arg6[%mul3A_214] : memref<262144xf32, #tpu.memory_space<vmem_shared>> -> memref<131072xf32, #tpu.memory_space<vmem_shared>>
      tpu.wait_dma2 semaphore(%run_scoped3A : memref<!tpu.dma_semaphore, #tpu.memory_space<semaphore_mem>>) src(%dma_wait3A_328 : memref<131072xf32, #tpu.memory_space<vmem_shared>>) dst(%dma_wait3A : memref<131072xf32, #tpu.memory_space<hbm>>)
      tpu.yield
    }) : () -> ()
    %mul3A_217 = arith.constant 32 : i32
    %mul3A_218 = arith.muli %add3A, %mul3A_217 : i32
    %add3A_219 = arith.constant 21 : i32
    %add3A_220 = arith.addi %mul3A_218, %add3A_219 : i32
    %sub3A_221 = arith.constant 1023 : i32
    %sub3A_222 = arith.subi %sub3A_221, %add3A_220 : i32
    %mul3A_223 = arith.constant 128 : i32
    %mul3A_224 = arith.muli %sub3A_222, %mul3A_223 : i32
    %mul3A_225 = arith.constant 131072 : i32
    %mul3A_226 = arith.muli %add3A_220, %mul3A_225 : i32
    "tpu.region"() ({
      %run_scoped3A = tpu.sem_alloc : memref<!tpu.dma_semaphore, #tpu.memory_space<semaphore_mem>>
      %dma_start3A = tpu.memref_slice %arg3[%mul3A_226] : memref<134217728xf32, #tpu.memory_space<hbm>> -> memref<131072xf32, #tpu.memory_space<hbm>>
      %dma_start3A_327 = tpu.memref_slice %arg6[%mul3A_224] : memref<262144xf32, #tpu.memory_space<vmem_shared>> -> memref<131072xf32, #tpu.memory_space<vmem_shared>>
      tpu.enqueue_dma source(%dma_start3A_327 : memref<131072xf32, #tpu.memory_space<vmem_shared>>) target(%dma_start3A : memref<131072xf32, #tpu.memory_space<hbm>>) target_semaphore(%run_scoped3A : memref<!tpu.dma_semaphore, #tpu.memory_space<semaphore_mem>>)
      %dma_wait3A = tpu.memref_slice %arg3[%mul3A_226] : memref<134217728xf32, #tpu.memory_space<hbm>> -> memref<131072xf32, #tpu.memory_space<hbm>>
      %dma_wait3A_328 = tpu.memref_slice %arg6[%mul3A_224] : memref<262144xf32, #tpu.memory_space<vmem_shared>> -> memref<131072xf32, #tpu.memory_space<vmem_shared>>
      tpu.wait_dma2 semaphore(%run_scoped3A : memref<!tpu.dma_semaphore, #tpu.memory_space<semaphore_mem>>) src(%dma_wait3A_328 : memref<131072xf32, #tpu.memory_space<vmem_shared>>) dst(%dma_wait3A : memref<131072xf32, #tpu.memory_space<hbm>>)
      tpu.yield
    }) : () -> ()
    %mul3A_227 = arith.constant 32 : i32
    %mul3A_228 = arith.muli %add3A, %mul3A_227 : i32
    %add3A_229 = arith.constant 22 : i32
    %add3A_230 = arith.addi %mul3A_228, %add3A_229 : i32
    %sub3A_231 = arith.constant 1023 : i32
    %sub3A_232 = arith.subi %sub3A_231, %add3A_230 : i32
    %mul3A_233 = arith.constant 128 : i32
    %mul3A_234 = arith.muli %sub3A_232, %mul3A_233 : i32
    %mul3A_235 = arith.constant 131072 : i32
    %mul3A_236 = arith.muli %add3A_230, %mul3A_235 : i32
    "tpu.region"() ({
      %run_scoped3A = tpu.sem_alloc : memref<!tpu.dma_semaphore, #tpu.memory_space<semaphore_mem>>
      %dma_start3A = tpu.memref_slice %arg3[%mul3A_236] : memref<134217728xf32, #tpu.memory_space<hbm>> -> memref<131072xf32, #tpu.memory_space<hbm>>
      %dma_start3A_327 = tpu.memref_slice %arg6[%mul3A_234] : memref<262144xf32, #tpu.memory_space<vmem_shared>> -> memref<131072xf32, #tpu.memory_space<vmem_shared>>
      tpu.enqueue_dma source(%dma_start3A_327 : memref<131072xf32, #tpu.memory_space<vmem_shared>>) target(%dma_start3A : memref<131072xf32, #tpu.memory_space<hbm>>) target_semaphore(%run_scoped3A : memref<!tpu.dma_semaphore, #tpu.memory_space<semaphore_mem>>)
      %dma_wait3A = tpu.memref_slice %arg3[%mul3A_236] : memref<134217728xf32, #tpu.memory_space<hbm>> -> memref<131072xf32, #tpu.memory_space<hbm>>
      %dma_wait3A_328 = tpu.memref_slice %arg6[%mul3A_234] : memref<262144xf32, #tpu.memory_space<vmem_shared>> -> memref<131072xf32, #tpu.memory_space<vmem_shared>>
      tpu.wait_dma2 semaphore(%run_scoped3A : memref<!tpu.dma_semaphore, #tpu.memory_space<semaphore_mem>>) src(%dma_wait3A_328 : memref<131072xf32, #tpu.memory_space<vmem_shared>>) dst(%dma_wait3A : memref<131072xf32, #tpu.memory_space<hbm>>)
      tpu.yield
    }) : () -> ()
    %mul3A_237 = arith.constant 32 : i32
    %mul3A_238 = arith.muli %add3A, %mul3A_237 : i32
    %add3A_239 = arith.constant 23 : i32
    %add3A_240 = arith.addi %mul3A_238, %add3A_239 : i32
    %sub3A_241 = arith.constant 1023 : i32
    %sub3A_242 = arith.subi %sub3A_241, %add3A_240 : i32
    %mul3A_243 = arith.constant 128 : i32
    %mul3A_244 = arith.muli %sub3A_242, %mul3A_243 : i32
    %mul3A_245 = arith.constant 131072 : i32
    %mul3A_246 = arith.muli %add3A_240, %mul3A_245 : i32
    "tpu.region"() ({
      %run_scoped3A = tpu.sem_alloc : memref<!tpu.dma_semaphore, #tpu.memory_space<semaphore_mem>>
      %dma_start3A = tpu.memref_slice %arg3[%mul3A_246] : memref<134217728xf32, #tpu.memory_space<hbm>> -> memref<131072xf32, #tpu.memory_space<hbm>>
      %dma_start3A_327 = tpu.memref_slice %arg6[%mul3A_244] : memref<262144xf32, #tpu.memory_space<vmem_shared>> -> memref<131072xf32, #tpu.memory_space<vmem_shared>>
      tpu.enqueue_dma source(%dma_start3A_327 : memref<131072xf32, #tpu.memory_space<vmem_shared>>) target(%dma_start3A : memref<131072xf32, #tpu.memory_space<hbm>>) target_semaphore(%run_scoped3A : memref<!tpu.dma_semaphore, #tpu.memory_space<semaphore_mem>>)
      %dma_wait3A = tpu.memref_slice %arg3[%mul3A_246] : memref<134217728xf32, #tpu.memory_space<hbm>> -> memref<131072xf32, #tpu.memory_space<hbm>>
      %dma_wait3A_328 = tpu.memref_slice %arg6[%mul3A_244] : memref<262144xf32, #tpu.memory_space<vmem_shared>> -> memref<131072xf32, #tpu.memory_space<vmem_shared>>
      tpu.wait_dma2 semaphore(%run_scoped3A : memref<!tpu.dma_semaphore, #tpu.memory_space<semaphore_mem>>) src(%dma_wait3A_328 : memref<131072xf32, #tpu.memory_space<vmem_shared>>) dst(%dma_wait3A : memref<131072xf32, #tpu.memory_space<hbm>>)
      tpu.yield
    }) : () -> ()
    %mul3A_247 = arith.constant 32 : i32
    %mul3A_248 = arith.muli %add3A, %mul3A_247 : i32
    %add3A_249 = arith.constant 24 : i32
    %add3A_250 = arith.addi %mul3A_248, %add3A_249 : i32
    %sub3A_251 = arith.constant 1023 : i32
    %sub3A_252 = arith.subi %sub3A_251, %add3A_250 : i32
    %mul3A_253 = arith.constant 128 : i32
    %mul3A_254 = arith.muli %sub3A_252, %mul3A_253 : i32
    %mul3A_255 = arith.constant 131072 : i32
    %mul3A_256 = arith.muli %add3A_250, %mul3A_255 : i32
    "tpu.region"() ({
      %run_scoped3A = tpu.sem_alloc : memref<!tpu.dma_semaphore, #tpu.memory_space<semaphore_mem>>
      %dma_start3A = tpu.memref_slice %arg3[%mul3A_256] : memref<134217728xf32, #tpu.memory_space<hbm>> -> memref<131072xf32, #tpu.memory_space<hbm>>
      %dma_start3A_327 = tpu.memref_slice %arg6[%mul3A_254] : memref<262144xf32, #tpu.memory_space<vmem_shared>> -> memref<131072xf32, #tpu.memory_space<vmem_shared>>
      tpu.enqueue_dma source(%dma_start3A_327 : memref<131072xf32, #tpu.memory_space<vmem_shared>>) target(%dma_start3A : memref<131072xf32, #tpu.memory_space<hbm>>) target_semaphore(%run_scoped3A : memref<!tpu.dma_semaphore, #tpu.memory_space<semaphore_mem>>)
      %dma_wait3A = tpu.memref_slice %arg3[%mul3A_256] : memref<134217728xf32, #tpu.memory_space<hbm>> -> memref<131072xf32, #tpu.memory_space<hbm>>
      %dma_wait3A_328 = tpu.memref_slice %arg6[%mul3A_254] : memref<262144xf32, #tpu.memory_space<vmem_shared>> -> memref<131072xf32, #tpu.memory_space<vmem_shared>>
      tpu.wait_dma2 semaphore(%run_scoped3A : memref<!tpu.dma_semaphore, #tpu.memory_space<semaphore_mem>>) src(%dma_wait3A_328 : memref<131072xf32, #tpu.memory_space<vmem_shared>>) dst(%dma_wait3A : memref<131072xf32, #tpu.memory_space<hbm>>)
      tpu.yield
    }) : () -> ()
    %mul3A_257 = arith.constant 32 : i32
    %mul3A_258 = arith.muli %add3A, %mul3A_257 : i32
    %add3A_259 = arith.constant 25 : i32
    %add3A_260 = arith.addi %mul3A_258, %add3A_259 : i32
    %sub3A_261 = arith.constant 1023 : i32
    %sub3A_262 = arith.subi %sub3A_261, %add3A_260 : i32
    %mul3A_263 = arith.constant 128 : i32
    %mul3A_264 = arith.muli %sub3A_262, %mul3A_263 : i32
    %mul3A_265 = arith.constant 131072 : i32
    %mul3A_266 = arith.muli %add3A_260, %mul3A_265 : i32
    "tpu.region"() ({
      %run_scoped3A = tpu.sem_alloc : memref<!tpu.dma_semaphore, #tpu.memory_space<semaphore_mem>>
      %dma_start3A = tpu.memref_slice %arg3[%mul3A_266] : memref<134217728xf32, #tpu.memory_space<hbm>> -> memref<131072xf32, #tpu.memory_space<hbm>>
      %dma_start3A_327 = tpu.memref_slice %arg6[%mul3A_264] : memref<262144xf32, #tpu.memory_space<vmem_shared>> -> memref<131072xf32, #tpu.memory_space<vmem_shared>>
      tpu.enqueue_dma source(%dma_start3A_327 : memref<131072xf32, #tpu.memory_space<vmem_shared>>) target(%dma_start3A : memref<131072xf32, #tpu.memory_space<hbm>>) target_semaphore(%run_scoped3A : memref<!tpu.dma_semaphore, #tpu.memory_space<semaphore_mem>>)
      %dma_wait3A = tpu.memref_slice %arg3[%mul3A_266] : memref<134217728xf32, #tpu.memory_space<hbm>> -> memref<131072xf32, #tpu.memory_space<hbm>>
      %dma_wait3A_328 = tpu.memref_slice %arg6[%mul3A_264] : memref<262144xf32, #tpu.memory_space<vmem_shared>> -> memref<131072xf32, #tpu.memory_space<vmem_shared>>
      tpu.wait_dma2 semaphore(%run_scoped3A : memref<!tpu.dma_semaphore, #tpu.memory_space<semaphore_mem>>) src(%dma_wait3A_328 : memref<131072xf32, #tpu.memory_space<vmem_shared>>) dst(%dma_wait3A : memref<131072xf32, #tpu.memory_space<hbm>>)
      tpu.yield
    }) : () -> ()
    %mul3A_267 = arith.constant 32 : i32
    %mul3A_268 = arith.muli %add3A, %mul3A_267 : i32
    %add3A_269 = arith.constant 26 : i32
    %add3A_270 = arith.addi %mul3A_268, %add3A_269 : i32
    %sub3A_271 = arith.constant 1023 : i32
    %sub3A_272 = arith.subi %sub3A_271, %add3A_270 : i32
    %mul3A_273 = arith.constant 128 : i32
    %mul3A_274 = arith.muli %sub3A_272, %mul3A_273 : i32
    %mul3A_275 = arith.constant 131072 : i32
    %mul3A_276 = arith.muli %add3A_270, %mul3A_275 : i32
    "tpu.region"() ({
      %run_scoped3A = tpu.sem_alloc : memref<!tpu.dma_semaphore, #tpu.memory_space<semaphore_mem>>
      %dma_start3A = tpu.memref_slice %arg3[%mul3A_276] : memref<134217728xf32, #tpu.memory_space<hbm>> -> memref<131072xf32, #tpu.memory_space<hbm>>
      %dma_start3A_327 = tpu.memref_slice %arg6[%mul3A_274] : memref<262144xf32, #tpu.memory_space<vmem_shared>> -> memref<131072xf32, #tpu.memory_space<vmem_shared>>
      tpu.enqueue_dma source(%dma_start3A_327 : memref<131072xf32, #tpu.memory_space<vmem_shared>>) target(%dma_start3A : memref<131072xf32, #tpu.memory_space<hbm>>) target_semaphore(%run_scoped3A : memref<!tpu.dma_semaphore, #tpu.memory_space<semaphore_mem>>)
      %dma_wait3A = tpu.memref_slice %arg3[%mul3A_276] : memref<134217728xf32, #tpu.memory_space<hbm>> -> memref<131072xf32, #tpu.memory_space<hbm>>
      %dma_wait3A_328 = tpu.memref_slice %arg6[%mul3A_274] : memref<262144xf32, #tpu.memory_space<vmem_shared>> -> memref<131072xf32, #tpu.memory_space<vmem_shared>>
      tpu.wait_dma2 semaphore(%run_scoped3A : memref<!tpu.dma_semaphore, #tpu.memory_space<semaphore_mem>>) src(%dma_wait3A_328 : memref<131072xf32, #tpu.memory_space<vmem_shared>>) dst(%dma_wait3A : memref<131072xf32, #tpu.memory_space<hbm>>)
      tpu.yield
    }) : () -> ()
    %mul3A_277 = arith.constant 32 : i32
    %mul3A_278 = arith.muli %add3A, %mul3A_277 : i32
    %add3A_279 = arith.constant 27 : i32
    %add3A_280 = arith.addi %mul3A_278, %add3A_279 : i32
    %sub3A_281 = arith.constant 1023 : i32
    %sub3A_282 = arith.subi %sub3A_281, %add3A_280 : i32
    %mul3A_283 = arith.constant 128 : i32
    %mul3A_284 = arith.muli %sub3A_282, %mul3A_283 : i32
    %mul3A_285 = arith.constant 131072 : i32
    %mul3A_286 = arith.muli %add3A_280, %mul3A_285 : i32
    "tpu.region"() ({
      %run_scoped3A = tpu.sem_alloc : memref<!tpu.dma_semaphore, #tpu.memory_space<semaphore_mem>>
      %dma_start3A = tpu.memref_slice %arg3[%mul3A_286] : memref<134217728xf32, #tpu.memory_space<hbm>> -> memref<131072xf32, #tpu.memory_space<hbm>>
      %dma_start3A_327 = tpu.memref_slice %arg6[%mul3A_284] : memref<262144xf32, #tpu.memory_space<vmem_shared>> -> memref<131072xf32, #tpu.memory_space<vmem_shared>>
      tpu.enqueue_dma source(%dma_start3A_327 : memref<131072xf32, #tpu.memory_space<vmem_shared>>) target(%dma_start3A : memref<131072xf32, #tpu.memory_space<hbm>>) target_semaphore(%run_scoped3A : memref<!tpu.dma_semaphore, #tpu.memory_space<semaphore_mem>>)
      %dma_wait3A = tpu.memref_slice %arg3[%mul3A_286] : memref<134217728xf32, #tpu.memory_space<hbm>> -> memref<131072xf32, #tpu.memory_space<hbm>>
      %dma_wait3A_328 = tpu.memref_slice %arg6[%mul3A_284] : memref<262144xf32, #tpu.memory_space<vmem_shared>> -> memref<131072xf32, #tpu.memory_space<vmem_shared>>
      tpu.wait_dma2 semaphore(%run_scoped3A : memref<!tpu.dma_semaphore, #tpu.memory_space<semaphore_mem>>) src(%dma_wait3A_328 : memref<131072xf32, #tpu.memory_space<vmem_shared>>) dst(%dma_wait3A : memref<131072xf32, #tpu.memory_space<hbm>>)
      tpu.yield
    }) : () -> ()
    %mul3A_287 = arith.constant 32 : i32
    %mul3A_288 = arith.muli %add3A, %mul3A_287 : i32
    %add3A_289 = arith.constant 28 : i32
    %add3A_290 = arith.addi %mul3A_288, %add3A_289 : i32
    %sub3A_291 = arith.constant 1023 : i32
    %sub3A_292 = arith.subi %sub3A_291, %add3A_290 : i32
    %mul3A_293 = arith.constant 128 : i32
    %mul3A_294 = arith.muli %sub3A_292, %mul3A_293 : i32
    %mul3A_295 = arith.constant 131072 : i32
    %mul3A_296 = arith.muli %add3A_290, %mul3A_295 : i32
    "tpu.region"() ({
      %run_scoped3A = tpu.sem_alloc : memref<!tpu.dma_semaphore, #tpu.memory_space<semaphore_mem>>
      %dma_start3A = tpu.memref_slice %arg3[%mul3A_296] : memref<134217728xf32, #tpu.memory_space<hbm>> -> memref<131072xf32, #tpu.memory_space<hbm>>
      %dma_start3A_327 = tpu.memref_slice %arg6[%mul3A_294] : memref<262144xf32, #tpu.memory_space<vmem_shared>> -> memref<131072xf32, #tpu.memory_space<vmem_shared>>
      tpu.enqueue_dma source(%dma_start3A_327 : memref<131072xf32, #tpu.memory_space<vmem_shared>>) target(%dma_start3A : memref<131072xf32, #tpu.memory_space<hbm>>) target_semaphore(%run_scoped3A : memref<!tpu.dma_semaphore, #tpu.memory_space<semaphore_mem>>)
      %dma_wait3A = tpu.memref_slice %arg3[%mul3A_296] : memref<134217728xf32, #tpu.memory_space<hbm>> -> memref<131072xf32, #tpu.memory_space<hbm>>
      %dma_wait3A_328 = tpu.memref_slice %arg6[%mul3A_294] : memref<262144xf32, #tpu.memory_space<vmem_shared>> -> memref<131072xf32, #tpu.memory_space<vmem_shared>>
      tpu.wait_dma2 semaphore(%run_scoped3A : memref<!tpu.dma_semaphore, #tpu.memory_space<semaphore_mem>>) src(%dma_wait3A_328 : memref<131072xf32, #tpu.memory_space<vmem_shared>>) dst(%dma_wait3A : memref<131072xf32, #tpu.memory_space<hbm>>)
      tpu.yield
    }) : () -> ()
    %mul3A_297 = arith.constant 32 : i32
    %mul3A_298 = arith.muli %add3A, %mul3A_297 : i32
    %add3A_299 = arith.constant 29 : i32
    %add3A_300 = arith.addi %mul3A_298, %add3A_299 : i32
    %sub3A_301 = arith.constant 1023 : i32
    %sub3A_302 = arith.subi %sub3A_301, %add3A_300 : i32
    %mul3A_303 = arith.constant 128 : i32
    %mul3A_304 = arith.muli %sub3A_302, %mul3A_303 : i32
    %mul3A_305 = arith.constant 131072 : i32
    %mul3A_306 = arith.muli %add3A_300, %mul3A_305 : i32
    "tpu.region"() ({
      %run_scoped3A = tpu.sem_alloc : memref<!tpu.dma_semaphore, #tpu.memory_space<semaphore_mem>>
      %dma_start3A = tpu.memref_slice %arg3[%mul3A_306] : memref<134217728xf32, #tpu.memory_space<hbm>> -> memref<131072xf32, #tpu.memory_space<hbm>>
      %dma_start3A_327 = tpu.memref_slice %arg6[%mul3A_304] : memref<262144xf32, #tpu.memory_space<vmem_shared>> -> memref<131072xf32, #tpu.memory_space<vmem_shared>>
      tpu.enqueue_dma source(%dma_start3A_327 : memref<131072xf32, #tpu.memory_space<vmem_shared>>) target(%dma_start3A : memref<131072xf32, #tpu.memory_space<hbm>>) target_semaphore(%run_scoped3A : memref<!tpu.dma_semaphore, #tpu.memory_space<semaphore_mem>>)
      %dma_wait3A = tpu.memref_slice %arg3[%mul3A_306] : memref<134217728xf32, #tpu.memory_space<hbm>> -> memref<131072xf32, #tpu.memory_space<hbm>>
      %dma_wait3A_328 = tpu.memref_slice %arg6[%mul3A_304] : memref<262144xf32, #tpu.memory_space<vmem_shared>> -> memref<131072xf32, #tpu.memory_space<vmem_shared>>
      tpu.wait_dma2 semaphore(%run_scoped3A : memref<!tpu.dma_semaphore, #tpu.memory_space<semaphore_mem>>) src(%dma_wait3A_328 : memref<131072xf32, #tpu.memory_space<vmem_shared>>) dst(%dma_wait3A : memref<131072xf32, #tpu.memory_space<hbm>>)
      tpu.yield
    }) : () -> ()
    %mul3A_307 = arith.constant 32 : i32
    %mul3A_308 = arith.muli %add3A, %mul3A_307 : i32
    %add3A_309 = arith.constant 30 : i32
    %add3A_310 = arith.addi %mul3A_308, %add3A_309 : i32
    %sub3A_311 = arith.constant 1023 : i32
    %sub3A_312 = arith.subi %sub3A_311, %add3A_310 : i32
    %mul3A_313 = arith.constant 128 : i32
    %mul3A_314 = arith.muli %sub3A_312, %mul3A_313 : i32
    %mul3A_315 = arith.constant 131072 : i32
    %mul3A_316 = arith.muli %add3A_310, %mul3A_315 : i32
    "tpu.region"() ({
      %run_scoped3A = tpu.sem_alloc : memref<!tpu.dma_semaphore, #tpu.memory_space<semaphore_mem>>
      %dma_start3A = tpu.memref_slice %arg3[%mul3A_316] : memref<134217728xf32, #tpu.memory_space<hbm>> -> memref<131072xf32, #tpu.memory_space<hbm>>
      %dma_start3A_327 = tpu.memref_slice %arg6[%mul3A_314] : memref<262144xf32, #tpu.memory_space<vmem_shared>> -> memref<131072xf32, #tpu.memory_space<vmem_shared>>
      tpu.enqueue_dma source(%dma_start3A_327 : memref<131072xf32, #tpu.memory_space<vmem_shared>>) target(%dma_start3A : memref<131072xf32, #tpu.memory_space<hbm>>) target_semaphore(%run_scoped3A : memref<!tpu.dma_semaphore, #tpu.memory_space<semaphore_mem>>)
      %dma_wait3A = tpu.memref_slice %arg3[%mul3A_316] : memref<134217728xf32, #tpu.memory_space<hbm>> -> memref<131072xf32, #tpu.memory_space<hbm>>
      %dma_wait3A_328 = tpu.memref_slice %arg6[%mul3A_314] : memref<262144xf32, #tpu.memory_space<vmem_shared>> -> memref<131072xf32, #tpu.memory_space<vmem_shared>>
      tpu.wait_dma2 semaphore(%run_scoped3A : memref<!tpu.dma_semaphore, #tpu.memory_space<semaphore_mem>>) src(%dma_wait3A_328 : memref<131072xf32, #tpu.memory_space<vmem_shared>>) dst(%dma_wait3A : memref<131072xf32, #tpu.memory_space<hbm>>)
      tpu.yield
    }) : () -> ()
    %mul3A_317 = arith.constant 32 : i32
    %mul3A_318 = arith.muli %add3A, %mul3A_317 : i32
    %add3A_319 = arith.constant 31 : i32
    %add3A_320 = arith.addi %mul3A_318, %add3A_319 : i32
    %sub3A_321 = arith.constant 1023 : i32
    %sub3A_322 = arith.subi %sub3A_321, %add3A_320 : i32
    %mul3A_323 = arith.constant 128 : i32
    %mul3A_324 = arith.muli %sub3A_322, %mul3A_323 : i32
    %mul3A_325 = arith.constant 131072 : i32
    %mul3A_326 = arith.muli %add3A_320, %mul3A_325 : i32
    "tpu.region"() ({
      %run_scoped3A = tpu.sem_alloc : memref<!tpu.dma_semaphore, #tpu.memory_space<semaphore_mem>>
      %dma_start3A = tpu.memref_slice %arg3[%mul3A_326] : memref<134217728xf32, #tpu.memory_space<hbm>> -> memref<131072xf32, #tpu.memory_space<hbm>>
      %dma_start3A_327 = tpu.memref_slice %arg6[%mul3A_324] : memref<262144xf32, #tpu.memory_space<vmem_shared>> -> memref<131072xf32, #tpu.memory_space<vmem_shared>>
      tpu.enqueue_dma source(%dma_start3A_327 : memref<131072xf32, #tpu.memory_space<vmem_shared>>) target(%dma_start3A : memref<131072xf32, #tpu.memory_space<hbm>>) target_semaphore(%run_scoped3A : memref<!tpu.dma_semaphore, #tpu.memory_space<semaphore_mem>>)
      %dma_wait3A = tpu.memref_slice %arg3[%mul3A_326] : memref<134217728xf32, #tpu.memory_space<hbm>> -> memref<131072xf32, #tpu.memory_space<hbm>>
      %dma_wait3A_328 = tpu.memref_slice %arg6[%mul3A_324] : memref<262144xf32, #tpu.memory_space<vmem_shared>> -> memref<131072xf32, #tpu.memory_space<vmem_shared>>
      tpu.wait_dma2 semaphore(%run_scoped3A : memref<!tpu.dma_semaphore, #tpu.memory_space<semaphore_mem>>) src(%dma_wait3A_328 : memref<131072xf32, #tpu.memory_space<vmem_shared>>) dst(%dma_wait3A : memref<131072xf32, #tpu.memory_space<hbm>>)
      tpu.yield
    }) : () -> ()
    return
  }
}

</mosaic_0001>

<sc_bundles>
// kernel: _relpos.3.cloned.1.call-start
scs
__scs_entry_jumppad:
0x0: {  	(pc) =	sbr.rel $0x88, $3  }
0x1: {  	(tag) =	ssettag $0x0;
	lr =	simm.s32 $0x1  }
0x2: {  	[smem:$0x3FA0] =	sst lr;
	_ =	strace $0xD0000000  }
0x3: {  	_ = 	snop  }
0x4: {  	_ = 	snop  }
0x5: {  	_ = 	snop  }
0x6: {  	_ = 	snop  }
0x7: {  	_ = 	snop  }
__scs_overlays_trampoline_lowered:
0x8: {  	[smem:$0x3FAF] =	sst s0  }
0x9: {  	[smem:$0x3FB0] =	sst s1  }
0xa: {  	[smem:$0x3FB1] =	sst s2  }
0xb: {  	[smem:$0x3FB2] =	sst s3  }
0xc: {  	[smem:$0x3FB3] =	sst s4  }
0xd: {  	[smem:$0x3FB4] =	sst s5  }
0xe: {  	[smem:$0x3FB5] =	sst s6  }
0xf: {  	[smem:$0x3FB6] =	sst s7  }
0x10: {  	[smem:$0x3FB7] =	sst s8  }
0x11: {  	[smem:$0x3FB8] =	sst s9;
	s0 =	simm.s32 @!p0 $0x0  }
0x12: {  	s1 =	sld [smem:$0x3F9E];
	s0 =	simm.s32 @p0 $0x1  }
0x13: {  	[smem:$0x3FB9] =	sst s0;
	s0 =	simm.s32 @!p1 $0x0  }
0x14: {  	s2 =	sld [smem:$0x3F9D];
	s0 =	simm.s32 @p1 $0x1  }
0x15: {  	[smem:$0x3FBA] =	sst s0;
	s0 =	simm.s32 @!p2 $0x0  }
0x16: {  	s3 =	sld [smem:$0x3FDB];
	s0 =	simm.s32 @p2 $0x1  }
0x17: {  	s4 =	simm.s32 $0x1BF5;
	[smem:$0x3FBC] =	sst s0  }
0x18: {  	s0 =	sld [smem:$0x3F9F];
	_ =	swait.ge [sflag:s4], $0x0  }
0x19: {  	s7 =	sld [smem:$0x3FA0]  }
0x1a: {  	s8 =	sadd.s32 $0xFFFFE003, lr  }
0x1b: {  	s9 =	sadd.s32 $0xFFFFFEF7, lr;
	s5 =	simm.s32 $0xFFFFFFFF;
	p2 =	slt.u32 s8, $0xFFFFF086  }
0x1c: {  	p1 =	slt.u32 s9, $0xF7A;
	s5 =	simm.s32 @!p2 $0x0  }
0x1d: {  	s5 =	simm.s32 @p1 $0x1;
	p0 =	seq.s32 s7, s2  }
0x1e: {  	s7 =	smul.u32 @!p0 $0xF7A, s2;
	p2 =	seq.s32 @!p0 s5, $0x0  }
0x1f: {  	s9 =	smul.u32 $0xF7A, s1;
	s8 =	simm.s32 @!p0 $0x1BF5;
	p2 =	por !p2, p0  }
0x20: {  	[sflag:s8] =	ssyncset.s32 @!p0 $0xFFFFF086;
	s6 =	sadd.s32 @!p0 s3, s7;
	s7 =	simm.s32 @!p0 $0x108  }
0x21: {  	s3 =	sadd.s32 s3, s9;
	s6 =	sadd.s32 @!p0 $0x88, s6;
	s7 =	simm.s32 @p2 $0x1082  }
0x22: {  	[simem:s7], [sflag:s8] =	dma.local @!p0 [hbm:s6], $0xF7A  }
0x23: {  	s9 =	sor.u32 $0xD0000000, s2;
	s6 =	simm.s32 $0x108;
	_ =	swait.ge @!p0 [sflag:s8], $0x0  }
0x24: {  	s3 =	sadd.s32 $0x88, s3;
	s6 =	simm.s32 @!p1 $0x1082;
	[sflag:s4] =	ssyncset.s32 $0xFFFFF086  }
0x25: {  	[simem:s6], [sflag:s4] =	dma.local [hbm:s3], $0xF7A  }
0x26: {  	[smem:$0x3FA0] =	sst s1;
	(tag) =	ssettag s2;
	_ =	strace s9  }
0x27: {  	s1 =	sld [smem:$0x3FB0]  }
0x28: {  	s2 =	sld [smem:$0x3FB1]  }
0x29: {  	s4 =	sld [smem:$0x3FB3]  }
0x2a: {  	p0 =	seq.s32 s5, $0x0;
	s5 =	sld [smem:$0x3FB4]  }
0x2b: {  	s6 =	sld [smem:$0x3FB5]  }
0x2c: {  	s7 =	sld [smem:$0x3FB6]  }
0x2d: {  	s3 =	simm.s32 $0x108;
	s8 =	sld [smem:$0x3FB7]  }
0x2e: {  	s3 =	simm.s32 @!p0 $0x1082;
	s9 =	sld [smem:$0x3FB8]  }
0x2f: {  	lr =	sadd.s32 s0, s3;
	s0 =	sld [smem:$0x3FAF]  }
0x30: {  	s3 =	sld [smem:$0x3FB2]  }
0x31: {  	[smem:$0x3FBB] =	sst s10  }
0x32: {  	s10 =	sld [smem:$0x3FB9];
	_ =	sdelay $0x3  }
0x33: {  	p0 =	seq.s32 s10, $0x1;
	s10 =	sld [smem:$0x3FBB];
	_ =	sdelay $0x3  }
0x34: {  	[smem:$0x3FBB] =	sst s10  }
0x35: {  	s10 =	sld [smem:$0x3FBA];
	_ =	sdelay $0x3  }
0x36: {  	p1 =	seq.s32 s10, $0x1;
	s10 =	sld [smem:$0x3FBB];
	_ =	sdelay $0x3  }
0x37: {  	[smem:$0x3FBB] =	sst s10  }
0x38: {  	s10 =	sld [smem:$0x3FBC]  }
0x39: {  	_ = 	snop;
	(pc) =	sbr.ind lr, $3  }
0x3a: {  	_ = 	snop  }
0x3b: {  	_ = 	snop  }
0x3c: {  	p2 =	seq.s32 s10, $0x1;
	s10 =	sld [smem:$0x3FBB]  }
0x3d: {  	_ =	shalt  }
0x3e: {  	_ =	shalt  }
0x3f: {  	_ =	shalt  }
0x40: {  	_ =	shalt  }
0x41: {  	_ =	shalt  }
0x42: {  	_ =	shalt  }
0x43: {  	_ =	shalt  }
0x44: {  	_ =	shalt  }
0x45: {  	_ =	shalt  }
0x46: {  	_ =	shalt  }
0x47: {  	_ =	shalt  }
0x48: {  	_ =	shalt  }
0x49: {  	_ =	shalt  }
0x4a: {  	_ =	shalt  }
0x4b: {  	_ =	shalt  }
0x4c: {  	_ =	shalt  }
0x4d: {  	_ =	shalt  }
0x4e: {  	_ =	shalt  }
0x4f: {  	_ =	shalt  }
0x50: {  	_ =	shalt  }
0x51: {  	_ =	shalt  }
0x52: {  	_ =	shalt  }
0x53: {  	_ =	shalt  }
0x54: {  	_ =	shalt  }
0x55: {  	_ =	shalt  }
0x56: {  	_ =	shalt  }
0x57: {  	_ =	shalt  }
0x58: {  	_ =	shalt  }
0x59: {  	_ =	shalt  }
0x5a: {  	_ =	shalt  }
0x5b: {  	_ =	shalt  }
0x5c: {  	_ =	shalt  }
0x5d: {  	_ =	shalt  }
0x5e: {  	_ =	shalt  }
0x5f: {  	_ =	shalt  }
0x60: {  	_ =	shalt  }
0x61: {  	_ =	shalt  }
0x62: {  	_ =	shalt  }
0x63: {  	_ =	shalt  }
0x64: {  	_ =	shalt  }
0x65: {  	_ =	shalt  }
0x66: {  	_ =	shalt  }
0x67: {  	_ =	shalt  }
0x68: {  	_ =	shalt  }
0x69: {  	_ =	shalt  }
0x6a: {  	_ =	shalt  }
0x6b: {  	_ =	shalt  }
0x6c: {  	_ =	shalt  }
0x6d: {  	_ =	shalt  }
0x6e: {  	_ =	shalt  }
0x6f: {  	_ =	shalt  }
0x70: {  	_ =	shalt  }
0x71: {  	_ =	shalt  }
0x72: {  	_ =	shalt  }
0x73: {  	_ =	shalt  }
0x74: {  	_ =	shalt  }
0x75: {  	_ =	shalt  }
0x76: {  	_ =	shalt  }
0x77: {  	_ =	shalt  }
0x78: {  	_ =	shalt  }
0x79: {  	_ =	shalt  }
0x7a: {  	_ =	shalt  }
0x7b: {  	_ =	shalt  }
0x7c: {  	_ =	shalt  }
0x7d: {  	_ =	shalt  }
0x7e: {  	_ =	shalt  }
0x7f: {  	_ =	shalt  }
0x80: {  	_ =	shalt  }
0x81: {  	_ =	shalt  }
0x82: {  	_ =	shalt  }
0x83: {  	_ =	shalt  }
0x84: {  	_ =	shalt  }
0x85: {  	_ =	shalt  }
0x86: {  	_ =	shalt  }
0x87: {  	_ =	shalt  }
.Lfunc_end0:
.L_simem_size_0:
called_computation_lowered:
.L_overlay_start_0:
0x88: {  	s2 =	sld [smem:$0x3FD9]  }
0x89: {  	s3 =	sld [smem:$0x3FFE];
	_ =	sdelay $0x1  }
0x8a: {  	s1 =	srdreg.scid  }
0x8b: {  	s0 =	sand.u32 $0x1, s1  }
0x8c: {  	s18 =	sshll.u32 s0, $0xA;
	s2 =	sadd.s32 s3, s2  }
0x8d: {  	s2 =	sadd.s32 s2, s18  }
0x8e: {  	[smem:$0x3FC7] =	sst s2  }
0x8f: {  	_ = 	snop  }
0x90: {  	s2 =	sld [smem:$0x3FC9]  }
0x91: {  	s19 =	sld [smem:$0x3FD0];
	(tm) =	ssettm $0x1  }
0x92: {  	s4 =	sld [smem:$0x3FFB];
	_ =	sdelay $0x3  }
0x93: {  	_ =	strace s4  }
0x94: {  	s4 =	sld [smem:$0x3FFC];
	_ =	sdelay $0x3  }
0x95: {  	_ =	strace s4  }
0x96: {  	s4 =	sld [smem:$0x3FFD];
	_ =	sdelay $0x3  }
0x97: {  	_ =	strace s4  }
0x98: {  	_ =	strace $0x8FFFFFFF  }
0x99: {  	s20 =	sld [smem:$0x3FDB];
	_ =	sdelay $0x1  }
0x9a: {  	s5 =	simm.s32 $_scs_section_size  }
0x9b: {  	s6 =	simm.s32 $_size__tile_overlayer_lowered;
	s7 =	simm.s32 $_tile_overlayer_lowered  }
0x9c: {  	s23 =	simm.s32 $0x1BFF;
	s22 =	sshll.u32 s7, $0x1;
	s4 =	sadd.s32 s5, s20  }
0x9d: {  	s8 =	simm.s32 $0x0;
	s21 =	sshll.u32 s6, $0x1;
	s6 =	sadd.s32 s22, s4  }
0x9e: {  	[timem:s8], [sflag:s23] =	dma.local [hbm:s6], s21  }
0x9f: {  	_ =	swait.ge [sflag:s23], s21  }
0xa0: {  	s5 =	ssub.s32 $0x0, s21;
	[sflag:s23] =	ssyncset.done $0x0  }
0xa1: {  	[sflag:s23] =	ssyncadd.s32 s5;
	_ =	sdelay $0x1  }
0xa2: {  	s24 =	simm.s32 $0x1B8B  }
0xa3: {  	_ =	swait.ge [sflag:s24], $0x1  }
0xa4: {  	[sflag:s24] =	ssyncset.done $0x0  }
0xa5: {  	s25 =	simm.s32 $0x1B8E;
	[sflag:s24] =	ssyncadd.s32 $0xFFFFFFFF  }
0xa6: {  	s26 =	simm.s32 $execute0_lowered;
	[smem:$0x3FD2] =	sst s25  }
0xa7: {  	s5 =	sshll.u32 s26, $0x1;
	_ =	strace $0x80000046;
	[dreg:$0x1] =	wrdreg $0xFFFFFFFF  }
0xa8: {  	s28 =	simm.s32 $_size_execute0_lowered;
	s4 =	sadd.s32 s4, s5;
	[dreg:$0x0] =	wrdreg $0x0  }
0xa9: {  	s5 =	sshll.u32 s28, $0x1;
	[dreg:$0x2] =	wrdreg s4  }
0xaa: {  	[dreg:$0x3] =	wrdreg s5  }
0xab: {  	[dreg:$0x4] =	wrdreg $0xC0  }
0xac: {  	_ =	task [dreg:s8], $0x5FFFF  }
0xad: {  	[dreg:$0x1] =	wrdreg $0xFFFFFFFF  }
0xae: {  	[dreg:$0x0] =	wrdreg $0x60  }
0xaf: {  	[dreg:$0x2] =	wrdreg s2  }
0xb0: {  	[dreg:$0x3] =	wrdreg s19  }
0xb1: {  	[dreg:$0x4] =	wrdreg $0x61000  }
0xb2: {  	[dreg:$0x5] =	wrdreg $0x9  }
0xb3: {  	_ =	task.clear_ibuf [dreg:s8], $0x6FFFF;
	_ =	strace $0x90000046  }
0xb4: {  	s29 =	simm.s32 $0x9;
	_ =	strace $0x80000048  }
0xb5: {  	_ =	swait.ge [sflag:s29], $0x1  }
0xb6: {  	[sflag:s29] =	ssyncadd.s32 $0xFFFFFFFF  }
0xb7: {  	_ =	strace $0x90000048  }
0xb8: {  	_ =	sfence  }
0xb9: {  	s30 =	sld [smem:$0x0];
	_ =	sdelay $0x2  }
0xba: {  	s31 =	sshll.u32 s1, $0xD;
	s1 =	sshrl.u32 s1, $0x2  }
0xbb: {  	s3 =	sand.u32 $0x4000, s31;
	s1 =	sadd.s32 s1, s30  }
0xbc: {  	s0 =	sor.u32 s3, s0;
	s1 =	sshll.u32 s1, $0x11  }
0xbd: {  	s0 =	sor.u32 s1, s0  }
0xbe: {  	s0 =	sadd.s32 $0x8F2B, s0  }
0xbf: {  	[sflag:s0] =	ssyncadd.remote.s32 $0x1  }
0xc0: {  	_ =	sfence.sel $0xFFFF  }
0xc1: {  	[dreg:$0x0] =	wrdreg $0xFFFFFFFF;
	(pc) =	sbr.abs _section_cstart, $3  }
0xc2: {  	[dreg:$0x1] =	wrdreg $0xFFFFFFFF  }
0xc3: {  	_ =	task.clear_ibuf [dreg:s8], $0x2FFFF;
	_ =	strace $0x9FFFFFFF  }
0xc4: {  	(tm) =	ssettm $0x7FFFFFFF  }
0xc5: {  	_ =	shalt  }
tec
execute0_lowered:
.L_overlay_start_1:
0x0: {  	(tag) =	ssettag $0x1  }
0x1: {  	s0 =	rddreg [dreg:$0x1]  }
0x2: {  	s1 =	rddreg [dreg:$0x2];
	s2 =	srdreg.scid  }
0x3: {  	s4 =	simm.s32 $0x0;
	s5 =	stileid.u32;
	s2 =	sand.u32 $0x1, s2  }
0x4: {  	[smem:$0x7FF] =	sst s4;
	s3 =	ssub.s32 $0x2, s2;
	s2 =	sshll.u32 s2, $0x4  }
0x5: {  	_ =	strace $0x80000047;
	s24 =	sshrl.u32 s3, $0x1;
	s2 =	sor.u32 s5, s2  }
0x6: {  	s5 =	sshll.u32 s5, $0xE;
	s3 =	ssub.s32 s3, s24;
	s25 =	sshll.u32 s2, $0xC  }
0x7: {  	[smem:$0x7ED] =	sst s3;
	s4 =	ssub.s32 s1, s25;
	s1 =	sadd.s32 s5, s1  }
0x8: {  	s2 =	sshll.u32 s2, $0x13;
	[dreg:$0x4] =	wrdreg s1;
	s26 =	sadd.s32 $0x1FF80, s4  }
0x9: {  	s5 =	sadd.s32 s0, s2;
	s0 =	sadd.s32 $0x1F100, s4;
	[smem:$0x7EE] =	sst s26  }
0xa: {  	[smem:$0x7F2] =	sst s0;
	s0 =	sadd.s32 $0x1F080, s4  }
0xb: {  	s1 =	sadd.s32 $0x1FF00, s4;
	[smem:$0x7F4] =	sst s0  }
0xc: {  	s2 =	sadd.s32 $0x1FE80, s4;
	s1 =	sshrl.u32 s1, $0x3;
	s0 =	sld [smem:$0x7ED]  }
0xd: {  	s6 =	sadd.s32 $0x1FE00, s4;
	s2 =	sshrl.u32 s2, $0x3;
	[dreg:$0x7] =	wrdreg s1  }
0xe: {  	s7 =	sadd.s32 $0x1FD80, s4;
	s6 =	sshrl.u32 s6, $0x3;
	[dreg:$0x8] =	wrdreg s2  }
0xf: {  	s8 =	sadd.s32 $0x1FD00, s4;
	s7 =	sshrl.u32 s7, $0x3;
	[dreg:$0x9] =	wrdreg s6  }
0x10: {  	s9 =	sadd.s32 $0x1FC80, s4;
	s8 =	sshrl.u32 s8, $0x3;
	[dreg:$0xa] =	wrdreg s7  }
0x11: {  	s10 =	sadd.s32 $0x1FC00, s4;
	s9 =	sshrl.u32 s9, $0x3;
	[dreg:$0xb] =	wrdreg s8  }
0x12: {  	s11 =	sadd.s32 $0x1FB80, s4;
	s10 =	sshrl.u32 s10, $0x3;
	[dreg:$0xc] =	wrdreg s9  }
0x13: {  	s12 =	sadd.s32 $0x1FB00, s4;
	s11 =	sshrl.u32 s11, $0x3;
	[dreg:$0xd] =	wrdreg s10  }
0x14: {  	s13 =	sadd.s32 $0x1FA80, s4;
	s12 =	sshrl.u32 s12, $0x3;
	[dreg:$0xe] =	wrdreg s11  }
0x15: {  	s14 =	sadd.s32 $0x1FA00, s4;
	s13 =	sshrl.u32 s13, $0x3;
	[dreg:$0xf] =	wrdreg s12  }
0x16: {  	s15 =	sadd.s32 $0x1F980, s4;
	s14 =	sshrl.u32 s14, $0x3;
	[dreg:$0x10] =	wrdreg s13  }
0x17: {  	s16 =	sadd.s32 $0x1F900, s4;
	s15 =	sshrl.u32 s15, $0x3;
	[dreg:$0x11] =	wrdreg s14  }
0x18: {  	s17 =	sadd.s32 $0x1F880, s4;
	s16 =	sshrl.u32 s16, $0x3;
	[dreg:$0x12] =	wrdreg s15  }
0x19: {  	s18 =	sadd.s32 $0x1F800, s4;
	s17 =	sshrl.u32 s17, $0x3;
	[dreg:$0x13] =	wrdreg s16  }
0x1a: {  	s19 =	sadd.s32 $0x1F780, s4;
	s18 =	sshrl.u32 s18, $0x3;
	[dreg:$0x14] =	wrdreg s17  }
0x1b: {  	s19 =	sshrl.u32 s19, $0x3;
	[dreg:$0x15] =	wrdreg s18  }
0x1c: {  	s20 =	sadd.s32 $0x1F700, s4;
	[dreg:$0x16] =	wrdreg s19  }
0x1d: {  	s21 =	sadd.s32 $0x1F680, s4;
	s1 =	sshrl.u32 s20, $0x3;
	s16 =	sld [smem:$0x7F2]  }
0x1e: {  	s22 =	sadd.s32 $0x1F600, s4;
	s2 =	sshrl.u32 s21, $0x3;
	[dreg:$0x17] =	wrdreg s1  }
0x1f: {  	s23 =	sadd.s32 $0x1F580, s4;
	s6 =	sshrl.u32 s22, $0x3;
	[dreg:$0x18] =	wrdreg s2  }
0x20: {  	s24 =	sadd.s32 $0x1F500, s4;
	s7 =	sshrl.u32 s23, $0x3;
	[dreg:$0x19] =	wrdreg s6  }
0x21: {  	s25 =	sadd.s32 $0x1F480, s4;
	s8 =	sshrl.u32 s24, $0x3;
	[dreg:$0x1a] =	wrdreg s7  }
0x22: {  	s26 =	sadd.s32 $0x1F400, s4;
	s9 =	sshrl.u32 s25, $0x3;
	[dreg:$0x1b] =	wrdreg s8  }
0x23: {  	s28 =	sadd.s32 $0x1F380, s4;
	s10 =	sshrl.u32 s26, $0x3;
	[dreg:$0x1c] =	wrdreg s9  }
0x24: {  	s29 =	sadd.s32 $0x1F300, s4;
	s11 =	sshrl.u32 s28, $0x3;
	[dreg:$0x1d] =	wrdreg s10  }
0x25: {  	s30 =	sadd.s32 $0x1F280, s4;
	s12 =	sshrl.u32 s29, $0x3;
	[dreg:$0x1e] =	wrdreg s11  }
0x26: {  	s31 =	sadd.s32 $0x1F200, s4;
	s13 =	sshrl.u32 s30, $0x3;
	[dreg:$0x1f] =	wrdreg s12  }
0x27: {  	s3 =	sadd.s32 $0x1F180, s4;
	s14 =	sshrl.u32 s31, $0x3;
	[smem:$0x7EF] =	sst s13  }
0x28: {  	s15 =	sshrl.u32 s3, $0x3;
	[smem:$0x7F0] =	sst s14  }
0x29: {  	s4 =	sadd.s32 $0x1F000, s4;
	[smem:$0x7F1] =	sst s15  }
0x2a: {  	s18 =	sshrl.u32 s4, $0x3;
	s19 =	stileid.u32;
	s17 =	sld [smem:$0x7F4]  }
0x2b: {  	s20 =	sadd.s32 $0x4000, s5;
	s21 =	sadd.s32 $0x8000, s5;
	[smem:$0x7F6] =	sst s18  }
0x2c: {  	s22 =	sadd.s32 $0xC000, s5;
	s23 =	sadd.s32 $0x10000, s5;
	[smem:$0x7F7] =	sst s20  }
0x2d: {  	s24 =	sadd.s32 $0x14000, s5;
	s25 =	sadd.s32 $0x18000, s5;
	[smem:$0x7F8] =	sst s21  }
0x2e: {  	s26 =	sadd.s32 $0x1C000, s5;
	s28 =	sadd.s32 $0x48000, s5;
	[smem:$0x7F9] =	sst s22  }
0x2f: {  	s29 =	sadd.s32 $0x4C000, s5;
	s30 =	sadd.s32 $0x50000, s5;
	[smem:$0x7FA] =	sst s23  }
0x30: {  	s31 =	sadd.s32 $0x54000, s5;
	s3 =	sadd.s32 $0x60000, s5;
	[smem:$0x7FB] =	sst s24  }
0x31: {  	s4 =	sadd.s32 $0x68000, s5;
	s9 =	sshll.u32 s19, $0x7;
	[smem:$0x7FC] =	sst s25  }
0x32: {  	[smem:$0x7FD] =	sst s26;
	s18 =	sadd.s32 $0x24000, s5;
	s19 =	sadd.s32 $0x28000, s5  }
0x33: {  	s20 =	sadd.s32 $0x2C000, s5;
	s21 =	sadd.s32 $0x30000, s5;
	s0 =	smax.u32 s0, $0x1  }
0x34: {  	s22 =	sadd.s32 $0x34000, s5;
	s23 =	sadd.s32 $0x38000, s5;
	[dreg:$0x5] =	wrdreg s0  }
0x35: {  	s24 =	sadd.s32 $0x3C000, s5;
	s25 =	sadd.s32 $0x40000, s5;
	s0 =	sld [smem:$0x7EE]  }
0x36: {  	s26 =	sadd.s32 $0x44000, s5;
	s1 =	sadd.s32 $0x5C000, s5;
	s2 =	sadd.s32 $0x64000, s5  }
0x37: {  	s6 =	sadd.s32 $0x6C000, s5;
	s7 =	sadd.s32 $0x70000, s5;
	s8 =	sadd.s32 $0x74000, s5  }
0x38: {  	s10 =	sadd.s32 $0x78000, s5;
	s11 =	sadd.s32 $0x7C000, s5;
	s0 =	sshrl.u32 s0, $0x3  }
0x39: {  	s12 =	simm.s32 $0x1;
	[dreg:$0x6] =	wrdreg s0;
	s0 =	sshrl.u32 s16, $0x3  }
0x3a: {  	s13 =	simm.s32 $0x0;
	[smem:$0x7F3] =	sst s0;
	s0 =	sshrl.u32 s17, $0x3  }
0x3b: {  	s17 =	sadd.s32 $0x20000, s5;
	[smem:$0x7F5] =	sst s0;
	s0 =	sadd.s32 $0x58000, s5  }
.LBB2_1:
0x3c: {  	s14 =	rddreg [dreg:$0x0];
	s15 =	simm.s32 $0x0  }
0x3d: {  	[tilespmem:s15], [sflag:$0x1] =	stream.linear.gather [hbm4b:s14+s15], $0x2100, $0x38;
	[tilespmem:$0xA100] =	vst v63  }
0x3e: {  	s14 =	sadd.s32 $0x0, s9  }
0x3f: {  	p0 =	sgt.s32 s14, $0x3DF  }
0x40: {  	_ =	swait.ge [sflag:s12], $0x2100;
	s14 =	simm.s32 @!p0 $0x3DF  }
0x41: {  	[sflag:s12] =	ssyncset.done $0x0;
	s14 =	smin.u32 s14, $0x41F  }
0x42: {  	[sflag:s12] =	ssyncadd.s32 $0xFFFFDF00;
	s16 =	sshll.u32 s14, $0x7  }
0x43: {  	v0 =	vld [tilespmem:s16+$0xFFFE1100];
	_ =	sdelay $0x3  }
0x44: {  	s14 =	simm.s32 $0x2140  }
0x45: {  	[tilespmem:s14+$0xFFFFFFC0] =	vst v0  }
0x46: {  	v0 =	vld [tilespmem:s16+$0xFFFE1110];
	_ =	sdelay $0x4  }
0x47: {  	[tilespmem:s14+$0xFFFFFFD0] =	vst v0  }
0x48: {  	v0 =	vld [tilespmem:s16+$0xFFFE1120];
	_ =	sdelay $0x4  }
0x49: {  	[tilespmem:s14+$0xFFFFFFE0] =	vst v0  }
0x4a: {  	v0 =	vld [tilespmem:s16+$0xFFFE1130];
	_ =	sdelay $0x4  }
0x4b: {  	[tilespmem:s14+$0xFFFFFFF0] =	vst v0  }
0x4c: {  	v0 =	vld [tilespmem:s16+$0xFFFE1140];
	_ =	sdelay $0x4  }
0x4d: {  	[tilespmem:s14+$0x0] =	vst v0  }
0x4e: {  	v0 =	vld [tilespmem:s16+$0xFFFE1150];
	_ =	sdelay $0x4  }
0x4f: {  	[tilespmem:s14+$0x10] =	vst v0  }
0x50: {  	v0 =	vld [tilespmem:s16+$0xFFFE1160];
	_ =	sdelay $0x4  }
0x51: {  	[tilespmem:s14+$0x20] =	vst v0  }
0x52: {  	v0 =	vld [tilespmem:s16+$0xFFFE1170]  }
0x53: {  	s15 =	simm.s32 $0x2;
	s16 =	sadd.s32 $0x1, s9  }
.LBB2_2:
0x54: {  	p0 =	sne.s32 s15, $0x7F;
	p1 =	sgt.s32 s16, $0x3DF  }
0x55: {  	s16 =	simm.s32 @!p1 $0x3DF  }
0x56: {  	s16 =	smin.u32 s16, $0x41F  }
0x57: {  	s16 =	sshll.u32 s16, $0x7;
	[tilespmem:s14+$0x30] =	vst v0  }
0x58: {  	v0 =	vld [tilespmem:s16+$0xFFFE1100];
	_ =	sdelay $0x3  }
0x59: {  	s14 =	sadd.s32 $0x80, s14  }
0x5a: {  	[tilespmem:s14+$0xFFFFFFC0] =	vst v0  }
0x5b: {  	v0 =	vld [tilespmem:s16+$0xFFFE1110];
	_ =	sdelay $0x4  }
0x5c: {  	[tilespmem:s14+$0xFFFFFFD0] =	vst v0  }
0x5d: {  	v0 =	vld [tilespmem:s16+$0xFFFE1120];
	_ =	sdelay $0x4  }
0x5e: {  	[tilespmem:s14+$0xFFFFFFE0] =	vst v0  }
0x5f: {  	v0 =	vld [tilespmem:s16+$0xFFFE1130];
	_ =	sdelay $0x4  }
0x60: {  	[tilespmem:s14+$0xFFFFFFF0] =	vst v0  }
0x61: {  	v0 =	vld [tilespmem:s16+$0xFFFE1140];
	_ =	sdelay $0x4  }
0x62: {  	[tilespmem:s14+$0x0] =	vst v0  }
0x63: {  	v0 =	vld [tilespmem:s16+$0xFFFE1150];
	_ =	sdelay $0x4  }
0x64: {  	[tilespmem:s14+$0x10] =	vst v0  }
0x65: {  	v0 =	vld [tilespmem:s16+$0xFFFE1160];
	_ =	sdelay $0x2  }
.Ltmp0:
0x66: {  	(pc) =	sbr.rel @p0 .LBB2_2-.Ltmp0, $4  }
0x67: {  	_ = 	snop  }
0x68: {  	[tilespmem:s14+$0x20] =	vst v0  }
0x69: {  	v0 =	vld [tilespmem:s16+$0xFFFE1170]  }
0x6a: {  	s16 =	sadd.s32 s15, s9;
	s15 =	sadd.s32 $0x1, s15  }
0x6b: {  	p0 =	sgt.s32 s16, $0x3DF  }
0x6c: {  	s16 =	simm.s32 @!p0 $0x3DF  }
0x6d: {  	s15 =	smin.u32 s16, $0x41F  }
0x6e: {  	s15 =	sshll.u32 s15, $0x7;
	[tilespmem:s14+$0x30] =	vst v0  }
0x6f: {  	v0 =	vld [tilespmem:s15+$0xFFFE1100];
	_ =	sdelay $0x3  }
0x70: {  	s16 =	sadd.s32 $0x80, s14  }
0x71: {  	[tilespmem:s16+$0xFFFFFFC0] =	vst v0  }
0x72: {  	v0 =	vld [tilespmem:s15+$0xFFFE1110];
	_ =	sdelay $0x4  }
0x73: {  	[tilespmem:s16+$0xFFFFFFD0] =	vst v0  }
0x74: {  	v0 =	vld [tilespmem:s15+$0xFFFE1120];
	_ =	sdelay $0x4  }
0x75: {  	[tilespmem:s16+$0xFFFFFFE0] =	vst v0  }
0x76: {  	v0 =	vld [tilespmem:s15+$0xFFFE1130];
	_ =	sdelay $0x4  }
0x77: {  	[tilespmem:s16+$0xFFFFFFF0] =	vst v0  }
0x78: {  	v0 =	vld [tilespmem:s15+$0xFFFE1140];
	_ =	sdelay $0x4  }
0x79: {  	[tilespmem:s16+$0x0] =	vst v0  }
0x7a: {  	v0 =	vld [tilespmem:s15+$0xFFFE1150];
	_ =	sdelay $0x4  }
0x7b: {  	[tilespmem:s16+$0x10] =	vst v0  }
0x7c: {  	v0 =	vld [tilespmem:s15+$0xFFFE1160];
	_ =	sdelay $0x4  }
0x7d: {  	[tilespmem:s16+$0x20] =	vst v0  }
0x7e: {  	v0 =	vld [tilespmem:s15+$0xFFFE1170];
	_ =	sdelay $0x4  }
0x7f: {  	s15 =	rddreg [dreg:$0x4];
	[tilespmem:s16+$0x30] =	vst v0;
	s16 =	simm.s32 $0x2100  }
0x80: {  	[spmem:s15] =	stream.linear.scatter [tilespmem:s16], [sflag:$0x1], $0x4000, $0x38;
	[tilespmem:$0xA100] =	vst v63  }
0x81: {  	_ =	swait.ge [sflag:s12], $0x4000  }
0x82: {  	[sflag:s12] =	ssyncset.done $0x0  }
0x83: {  	s15 =	stileid.u32;
	[sflag:s12] =	ssyncadd.s32 $0xFFFFC000  }
0x84: {  	s14 =	sshll.u32 s15, $0x6;
	[bflag:$0x0] =	sbarrier.arrive $0xFFFF  }
0x85: {  	s14 =	sor.u32 $0x1C01, s14;
	s16 =	rddreg [dreg:$0x6]  }
0x86: {  	[hbm:s5], [sflag:s14] =	dma.local [spmem:s16], $0x4000  }
0x87: {  	_ =	swait.ge [sflag:s12], $0x4000  }
0x88: {  	s16 =	sld [smem:$0x7F7]  }
0x89: {  	[sflag:s12] =	ssyncset.done $0x0  }
0x8a: {  	s15 =	rddreg [dreg:$0x7];
	[sflag:s12] =	ssyncadd.s32 $0xFFFFC000  }
0x8b: {  	[hbm:s16], [sflag:s14] =	dma.local [spmem:s15], $0x4000  }
0x8c: {  	_ =	swait.ge [sflag:s12], $0x4000  }
0x8d: {  	s16 =	sld [smem:$0x7F8]  }
0x8e: {  	[sflag:s12] =	ssyncset.done $0x0  }
0x8f: {  	s15 =	rddreg [dreg:$0x8];
	[sflag:s12] =	ssyncadd.s32 $0xFFFFC000  }
0x90: {  	[hbm:s16], [sflag:s14] =	dma.local [spmem:s15], $0x4000  }
0x91: {  	_ =	swait.ge [sflag:s12], $0x4000  }
0x92: {  	s16 =	sld [smem:$0x7F9]  }
0x93: {  	[sflag:s12] =	ssyncset.done $0x0  }
0x94: {  	s15 =	rddreg [dreg:$0x9];
	[sflag:s12] =	ssyncadd.s32 $0xFFFFC000  }
0x95: {  	[hbm:s16], [sflag:s14] =	dma.local [spmem:s15], $0x4000  }
0x96: {  	_ =	swait.ge [sflag:s12], $0x4000  }
0x97: {  	s16 =	sld [smem:$0x7FA]  }
0x98: {  	[sflag:s12] =	ssyncset.done $0x0  }
0x99: {  	s15 =	rddreg [dreg:$0xa];
	[sflag:s12] =	ssyncadd.s32 $0xFFFFC000  }
0x9a: {  	[hbm:s16], [sflag:s14] =	dma.local [spmem:s15], $0x4000  }
0x9b: {  	_ =	swait.ge [sflag:s12], $0x4000  }
0x9c: {  	s16 =	sld [smem:$0x7FB]  }
0x9d: {  	[sflag:s12] =	ssyncset.done $0x0  }
0x9e: {  	s15 =	rddreg [dreg:$0xb];
	[sflag:s12] =	ssyncadd.s32 $0xFFFFC000  }
0x9f: {  	[hbm:s16], [sflag:s14] =	dma.local [spmem:s15], $0x4000  }
0xa0: {  	_ =	swait.ge [sflag:s12], $0x4000  }
0xa1: {  	s16 =	sld [smem:$0x7FC]  }
0xa2: {  	[sflag:s12] =	ssyncset.done $0x0  }
0xa3: {  	s15 =	rddreg [dreg:$0xc];
	[sflag:s12] =	ssyncadd.s32 $0xFFFFC000  }
0xa4: {  	[hbm:s16], [sflag:s14] =	dma.local [spmem:s15], $0x4000  }
0xa5: {  	_ =	swait.ge [sflag:s12], $0x4000  }
0xa6: {  	s16 =	sld [smem:$0x7FD]  }
0xa7: {  	[sflag:s12] =	ssyncset.done $0x0  }
0xa8: {  	s15 =	rddreg [dreg:$0xd];
	[sflag:s12] =	ssyncadd.s32 $0xFFFFC000  }
0xa9: {  	[hbm:s16], [sflag:s14] =	dma.local [spmem:s15], $0x4000  }
0xaa: {  	_ =	swait.ge [sflag:s12], $0x4000  }
0xab: {  	[sflag:s12] =	ssyncset.done $0x0  }
0xac: {  	s16 =	rddreg [dreg:$0xe];
	[sflag:s12] =	ssyncadd.s32 $0xFFFFC000  }
0xad: {  	[hbm:s17], [sflag:s14] =	dma.local [spmem:s16], $0x4000  }
0xae: {  	_ =	swait.ge [sflag:s12], $0x4000  }
0xaf: {  	[sflag:s12] =	ssyncset.done $0x0  }
0xb0: {  	s16 =	rddreg [dreg:$0xf];
	[sflag:s12] =	ssyncadd.s32 $0xFFFFC000  }
0xb1: {  	[hbm:s18], [sflag:s14] =	dma.local [spmem:s16], $0x4000  }
0xb2: {  	_ =	swait.ge [sflag:s12], $0x4000  }
0xb3: {  	[sflag:s12] =	ssyncset.done $0x0  }
0xb4: {  	s16 =	rddreg [dreg:$0x10];
	[sflag:s12] =	ssyncadd.s32 $0xFFFFC000  }
0xb5: {  	[hbm:s19], [sflag:s14] =	dma.local [spmem:s16], $0x4000  }
0xb6: {  	_ =	swait.ge [sflag:s12], $0x4000  }
0xb7: {  	[sflag:s12] =	ssyncset.done $0x0  }
0xb8: {  	s16 =	rddreg [dreg:$0x11];
	[sflag:s12] =	ssyncadd.s32 $0xFFFFC000  }
0xb9: {  	[hbm:s20], [sflag:s14] =	dma.local [spmem:s16], $0x4000  }
0xba: {  	_ =	swait.ge [sflag:s12], $0x4000  }
0xbb: {  	[sflag:s12] =	ssyncset.done $0x0  }
0xbc: {  	s16 =	rddreg [dreg:$0x12];
	[sflag:s12] =	ssyncadd.s32 $0xFFFFC000  }
0xbd: {  	[hbm:s21], [sflag:s14] =	dma.local [spmem:s16], $0x4000  }
0xbe: {  	_ =	swait.ge [sflag:s12], $0x4000  }
0xbf: {  	[sflag:s12] =	ssyncset.done $0x0  }
0xc0: {  	s16 =	rddreg [dreg:$0x13];
	[sflag:s12] =	ssyncadd.s32 $0xFFFFC000  }
0xc1: {  	[hbm:s22], [sflag:s14] =	dma.local [spmem:s16], $0x4000  }
0xc2: {  	_ =	swait.ge [sflag:s12], $0x4000  }
0xc3: {  	[sflag:s12] =	ssyncset.done $0x0  }
0xc4: {  	s16 =	rddreg [dreg:$0x14];
	[sflag:s12] =	ssyncadd.s32 $0xFFFFC000  }
0xc5: {  	[hbm:s23], [sflag:s14] =	dma.local [spmem:s16], $0x4000  }
0xc6: {  	_ =	swait.ge [sflag:s12], $0x4000  }
0xc7: {  	[sflag:s12] =	ssyncset.done $0x0  }
0xc8: {  	s16 =	rddreg [dreg:$0x15];
	[sflag:s12] =	ssyncadd.s32 $0xFFFFC000  }
0xc9: {  	[hbm:s24], [sflag:s14] =	dma.local [spmem:s16], $0x4000  }
0xca: {  	_ =	swait.ge [sflag:s12], $0x4000  }
0xcb: {  	[sflag:s12] =	ssyncset.done $0x0  }
0xcc: {  	s16 =	rddreg [dreg:$0x16];
	[sflag:s12] =	ssyncadd.s32 $0xFFFFC000  }
0xcd: {  	[hbm:s25], [sflag:s14] =	dma.local [spmem:s16], $0x4000  }
0xce: {  	_ =	swait.ge [sflag:s12], $0x4000  }
0xcf: {  	[sflag:s12] =	ssyncset.done $0x0  }
0xd0: {  	s16 =	rddreg [dreg:$0x17];
	[sflag:s12] =	ssyncadd.s32 $0xFFFFC000  }
0xd1: {  	[hbm:s26], [sflag:s14] =	dma.local [spmem:s16], $0x4000  }
0xd2: {  	_ =	swait.ge [sflag:s12], $0x4000  }
0xd3: {  	[sflag:s12] =	ssyncset.done $0x0  }
0xd4: {  	s16 =	rddreg [dreg:$0x18];
	[sflag:s12] =	ssyncadd.s32 $0xFFFFC000  }
0xd5: {  	[hbm:s28], [sflag:s14] =	dma.local [spmem:s16], $0x4000  }
0xd6: {  	_ =	swait.ge [sflag:s12], $0x4000  }
0xd7: {  	[sflag:s12] =	ssyncset.done $0x0  }
0xd8: {  	s16 =	rddreg [dreg:$0x19];
	[sflag:s12] =	ssyncadd.s32 $0xFFFFC000  }
0xd9: {  	[hbm:s29], [sflag:s14] =	dma.local [spmem:s16], $0x4000  }
0xda: {  	_ =	swait.ge [sflag:s12], $0x4000  }
0xdb: {  	[sflag:s12] =	ssyncset.done $0x0  }
0xdc: {  	s16 =	rddreg [dreg:$0x1a];
	[sflag:s12] =	ssyncadd.s32 $0xFFFFC000  }
0xdd: {  	[hbm:s30], [sflag:s14] =	dma.local [spmem:s16], $0x4000  }
0xde: {  	_ =	swait.ge [sflag:s12], $0x4000  }
0xdf: {  	[sflag:s12] =	ssyncset.done $0x0  }
0xe0: {  	s16 =	rddreg [dreg:$0x1b];
	[sflag:s12] =	ssyncadd.s32 $0xFFFFC000  }
0xe1: {  	[hbm:s31], [sflag:s14] =	dma.local [spmem:s16], $0x4000  }
0xe2: {  	_ =	swait.ge [sflag:s12], $0x4000  }
0xe3: {  	[sflag:s12] =	ssyncset.done $0x0  }
0xe4: {  	s16 =	rddreg [dreg:$0x1c];
	[sflag:s12] =	ssyncadd.s32 $0xFFFFC000  }
0xe5: {  	[hbm:s0], [sflag:s14] =	dma.local [spmem:s16], $0x4000  }
0xe6: {  	_ =	swait.ge [sflag:s12], $0x4000  }
0xe7: {  	[sflag:s12] =	ssyncset.done $0x0  }
0xe8: {  	s16 =	rddreg [dreg:$0x1d];
	[sflag:s12] =	ssyncadd.s32 $0xFFFFC000  }
0xe9: {  	[hbm:s1], [sflag:s14] =	dma.local [spmem:s16], $0x4000  }
0xea: {  	_ =	swait.ge [sflag:s12], $0x4000  }
0xeb: {  	[sflag:s12] =	ssyncset.done $0x0  }
0xec: {  	s16 =	rddreg [dreg:$0x1e];
	[sflag:s12] =	ssyncadd.s32 $0xFFFFC000  }
0xed: {  	[hbm:s3], [sflag:s14] =	dma.local [spmem:s16], $0x4000  }
0xee: {  	_ =	swait.ge [sflag:s12], $0x4000  }
0xef: {  	[sflag:s12] =	ssyncset.done $0x0  }
0xf0: {  	s16 =	rddreg [dreg:$0x1f];
	[sflag:s12] =	ssyncadd.s32 $0xFFFFC000  }
0xf1: {  	[hbm:s2], [sflag:s14] =	dma.local [spmem:s16], $0x4000  }
0xf2: {  	_ =	swait.ge [sflag:s12], $0x4000  }
0xf3: {  	s16 =	sld [smem:$0x7EF]  }
0xf4: {  	[sflag:s12] =	ssyncset.done $0x0  }
0xf5: {  	[sflag:s12] =	ssyncadd.s32 $0xFFFFC000  }
0xf6: {  	[hbm:s4], [sflag:s14] =	dma.local [spmem:s16], $0x4000  }
0xf7: {  	_ =	swait.ge [sflag:s12], $0x4000  }
0xf8: {  	s16 =	sld [smem:$0x7F0]  }
0xf9: {  	[sflag:s12] =	ssyncset.done $0x0  }
0xfa: {  	[sflag:s12] =	ssyncadd.s32 $0xFFFFC000  }
0xfb: {  	[hbm:s6], [sflag:s14] =	dma.local [spmem:s16], $0x4000  }
0xfc: {  	_ =	swait.ge [sflag:s12], $0x4000  }
0xfd: {  	s16 =	sld [smem:$0x7F1]  }
0xfe: {  	[sflag:s12] =	ssyncset.done $0x0  }
0xff: {  	[sflag:s12] =	ssyncadd.s32 $0xFFFFC000  }
0x100: {  	[hbm:s7], [sflag:s14] =	dma.local [spmem:s16], $0x4000  }
0x101: {  	_ =	swait.ge [sflag:s12], $0x4000  }
0x102: {  	s16 =	sld [smem:$0x7F3]  }
0x103: {  	[sflag:s12] =	ssyncset.done $0x0  }
0x104: {  	[sflag:s12] =	ssyncadd.s32 $0xFFFFC000  }
0x105: {  	[hbm:s8], [sflag:s14] =	dma.local [spmem:s16], $0x4000  }
0x106: {  	_ =	swait.ge [sflag:s12], $0x4000  }
0x107: {  	s16 =	sld [smem:$0x7F5]  }
0x108: {  	[sflag:s12] =	ssyncset.done $0x0  }
0x109: {  	[sflag:s12] =	ssyncadd.s32 $0xFFFFC000  }
0x10a: {  	[hbm:s10], [sflag:s14] =	dma.local [spmem:s16], $0x4000  }
0x10b: {  	_ =	swait.ge [sflag:s12], $0x4000  }
0x10c: {  	s16 =	sld [smem:$0x7F6]  }
0x10d: {  	[sflag:s12] =	ssyncset.done $0x0  }
0x10e: {  	[sflag:s12] =	ssyncadd.s32 $0xFFFFC000  }
0x10f: {  	[hbm:s11], [sflag:s14] =	dma.local [spmem:s16], $0x4000  }
0x110: {  	_ =	swait.ge [sflag:s12], $0x4000  }
0x111: {  	s13 =	sadd.s32 $0x1, s13;
	s16 =	rddreg [dreg:$0x5]  }
0x112: {  	p0 =	sne.s32 s13, s16  }
.Ltmp1:
0x113: {  	_ = 	snop;
	(pc) =	sbr.rel @p0 .LBB2_1-.Ltmp1, $3  }
0x114: {  	_ =	sdelay $0x1  }
0x115: {  	[sflag:s12] =	ssyncset.done $0x0  }
0x116: {  	[sflag:s12] =	ssyncadd.s32 $0xFFFFC000  }
0x117: {  	_ =	sfence.sel $0x180000  }
0x118: {  	[bflag:$0x0] =	sbarrier.arrive $0xFFFF  }
0x119: {  	_ =	strace $0x90000047  }
0x11a: {  	s0 =	stileid.u32;
	[bflag:$0x2] =	sbarrier.arrive $0xFFFF  }
0x11b: {  	p0 =	sne.s32 s0, $0x0;
	s0 =	rddreg [dreg:$0x3]  }
0x11c: {  	s0 =	sadd.s32 @!p0 $0x100000, s0  }
0x11d: {  	[sflag:s0] =	ssyncadd.tile.s32 @!p0 $0x1;
	_ =	shalt  }
.Lfunc_end2:
_tile_overlayer_lowered:
.L_overlay_start_2:
0x11e: {  	(tag) =	ssettag $0x2  }
0x11f: {  	s0 =	rddreg [dreg:$0x0];
	s2 =	stileid.u32  }
0x120: {  	s1 =	rddreg [dreg:$0x1];
	p0 =	sne.s32 s2, $0x0  }
0x121: {  	s3 =	rddreg [dreg:$0x2];
	[bflag:$0x3] =	sbarrier.arrive $0xFFFF;
	s2 =	simm.s32 @!p0 $0x1C01  }
0x122: {  	[timem:s3], [sflag:s2] =	dma.local @!p0 [hbm:s0], s1  }
0x123: {  	s0 =	simm.s32 @!p0 $0x1  }
0x124: {  	_ =	swait.ge @!p0 [sflag:s0], s1  }
0x125: {  	s1 =	ssub.s32 @!p0 $0x0, s1;
	[sflag:s0] =	ssyncset.done @!p0 $0x0  }
0x126: {  	[sflag:s0] =	ssyncadd.s32 @!p0 s1  }
0x127: {  	[bflag:$0x3] =	sbarrier.arrive $0xFFFF  }
0x128: {  	_ =	shalt  }

</sc_bundles>
